<compile_context>
chip_gen: v7x
topology: tpu7x:2x2x1
jax: 0.10.2.dev20260603
libtpu: 0.0.44.dev20260713+nightly
codegen_flags: <defaults>
</compile_context>

<pallas_src>
import functools

import jax
import jax.numpy as jnp
from jax import lax
from jax.experimental import pallas as pl
from jax.experimental.pallas import tpu as pltpu
from jax.experimental.pallas import tpu_sc as plsc

N = 10000
NP = 10240
E = 160000
EP = 163840
VOCAB = 100000
D = 300
H1 = 128
H2 = 64
H2P = 128
OUT = 6
G = 64
NC, NS = 2, 16
NW = NC * NS
DUMMY = N

ROW_BLK = 1024
GRID = NP // ROW_BLK
VBLK = 2000
VGRID = VOCAB // VBLK

_mesh = functools.partial(
    plsc.VectorSubcoreMesh, core_axis_name="c", subcore_axis_name="s")


def _wid():
    return lax.axis_index("s") * NC + lax.axis_index("c")


def _tc0_body(t, w1, tw):
    tw[...] = jnp.dot(t[...], w1[...], preferred_element_type=jnp.float32)


_tc0 = pl.pallas_call(
    _tc0_body,
    grid=(VGRID,),
    in_specs=[
        pl.BlockSpec((VBLK, D), lambda i: (i, 0)),
        pl.BlockSpec((D, H1), lambda i: (0, 0)),
    ],
    out_specs=pl.BlockSpec((VBLK, H1), lambda i: (i, 0)),
    out_shape=jax.ShapeDtypeStruct((VOCAB, H1), jnp.float32),
)


def _embed_body(tw, idx, out, idx_v, rows_v, sem):
    w = _wid()

    def chunk(j, carry):
        base = w * (NP // NW) + j * 80
        pltpu.sync_copy(idx.at[pl.ds(base, 80)], idx_v)
        pltpu.async_copy(tw.at[idx_v], rows_v, sem).wait()
        pltpu.sync_copy(rows_v, out.at[pl.ds(base, 80)])
        return carry

    lax.fori_loop(0, NP // NW // 80, chunk, 0)


_embed = pl.kernel(
    _embed_body,
    out_type=jax.ShapeDtypeStruct((NP, H1), jnp.float32),
    mesh=_mesh(),
    scratch_types=[
        pltpu.VMEM((80,), jnp.int32),
        pltpu.VMEM((80, H1), jnp.float32),
        pltpu.SemaphoreType.DMA,
    ],
)


def _deg_body(dst, dout, ones_v, zeros_v, didx_v, dshared):
    cid = lax.axis_index("c")
    sid = lax.axis_index("s")
    rps = NP // NS

    ones16 = jnp.ones((16,), jnp.float32)
    zeros16 = jnp.zeros((16,), jnp.float32)

    def ofill(i, c):
        ones_v[pl.ds(i * 16, 16)] = ones16
        return c

    lax.fori_loop(0, 128 // 16, ofill, 0)

    def zfill(i, c):
        zeros_v[pl.ds(i * 16, 16)] = zeros16
        return c

    lax.fori_loop(0, rps // 16, zfill, 0)

    pltpu.sync_copy(zeros_v, dshared.at[pl.ds(sid * rps, rps)])
    plsc.subcore_barrier()

    eps_core = EP // NC
    eps_sub = eps_core // NS

    def dchunk(j, c):
        base = cid * eps_core + sid * eps_sub + j * 128
        pltpu.sync_copy(dst.at[pl.ds(base, 128)], didx_v)
        pltpu.sync_copy(ones_v, dshared.at[didx_v], add=True)
        return c

    lax.fori_loop(0, eps_sub // 128, dchunk, 0)

    plsc.subcore_barrier()
    pltpu.sync_copy(dshared.at[pl.ds(sid * rps, rps)],
                    dout.at[pl.ds(cid * NP + sid * rps, rps)])


_deg = pl.kernel(
    _deg_body,
    out_type=jax.ShapeDtypeStruct((NC * NP,), jnp.float32),
    mesh=_mesh(),
    scratch_types=[
        pltpu.VMEM((128,), jnp.float32),
        pltpu.VMEM((NP // NS,), jnp.float32),
        pltpu.VMEM((128,), jnp.int32),
        pltpu.VMEM_SHARED((NP,), jnp.float32),
    ],
)


ECH = 128
NCH = EP // NC // NS // ECH


def _make_agg(CG, CA):

    def _agg_body(gp, gn, src1, dst2, out, shared, sidx_v, didx_v,
                  rows0, rows1, gsem0, gsem1):
        cid = lax.axis_index("c")
        sid = lax.axis_index("s")
        rps = NP // NS

        pltpu.sync_copy(gn.at[pl.ds(sid * rps, rps)],
                        shared.at[pl.ds(sid * rps, rps)])

        ebase = (cid * NS + sid) * (NCH * ECH)
        cbase = cid * (EP // NC // ECH) + sid * NCH
        pltpu.sync_copy(src1.at[pl.ds(ebase, NCH * ECH)], sidx_v)
        pltpu.sync_copy(dst2.at[pl.ds(cbase, NCH)], didx_v)
        plsc.subcore_barrier()

        rows = (rows0, rows1)
        gsem = (gsem0, gsem1)

        def sidx(k):
            return sidx_v.at[pl.ds(k * ECH, ECH)]

        def wait_gather(k, b):
            pltpu.make_async_copy(gp.at[sidx(k)], rows[b], gsem[b]).wait()

        def srows(b):
            if CA == CG:
                return rows[b]
            return rows[b].at[:, pl.ds(0, CA)]

        pltpu.async_copy(gp.at[sidx(0)], rows0, gsem0)
        pltpu.async_copy(gp.at[sidx(1)], rows1, gsem1)

        def pair(p, carry):
            for b in range(2):
                k = p * 2 + b
                wait_gather(k, b)
                pltpu.sync_copy(srows(b), shared.at[didx_v.at[k]], add=True)

                @pl.when(k + 2 < NCH)
                def _():
                    pltpu.async_copy(gp.at[sidx(k + 2)], rows[b], gsem[b])
            return carry

        lax.fori_loop(0, NCH // 2, pair, 0)
        plsc.subcore_barrier()
        pltpu.sync_copy(shared.at[pl.ds(sid * rps, rps)],
                        out.at[pl.ds(cid * NP + sid * rps, rps)])

    return pl.kernel(
        _agg_body,
        out_type=jax.ShapeDtypeStruct((NC * NP, CA), jnp.float32),
        mesh=_mesh(),
        scratch_types=[
            pltpu.VMEM_SHARED((NP, CA), jnp.float32),
            pltpu.VMEM((NCH * ECH,), jnp.int32),
            pltpu.VMEM((NCH, ECH), jnp.int32),
            pltpu.VMEM((ECH, CG), jnp.float32),
            pltpu.VMEM((ECH, CG), jnp.float32),
            pltpu.SemaphoreType.DMA,
            pltpu.SemaphoreType.DMA,
        ],
    )


_agg1 = _make_agg(H1, H1)
_agg2 = _make_agg(H2P, H2P)


def _tc1_body(z, degp, g1, dinv):
    deg = jnp.sum(degp[...], axis=1, keepdims=True) + 1.0
    di = lax.rsqrt(deg)
    g1[...] = z[...] * di
    dinv[...] = di


_tc1 = pl.pallas_call(
    _tc1_body,
    grid=(GRID,),
    in_specs=[
        pl.BlockSpec((ROW_BLK, H1), lambda i: (i, 0)),
        pl.BlockSpec((ROW_BLK, NC), lambda i: (i, 0)),
    ],
    out_specs=[
        pl.BlockSpec((ROW_BLK, H1), lambda i: (i, 0)),
        pl.BlockSpec((ROW_BLK, 1), lambda i: (i, 0)),
    ],
    out_shape=[
        jax.ShapeDtypeStruct((NP, H1), jnp.float32),
        jax.ShapeDtypeStruct((NP, 1), jnp.float32),
    ],
)


def _tc2_body(a0, a1, g1, dinv, b1, w2, g2p, g2n):
    di = dinv[...]
    agg = a0[...] + a1[...] - g1[...]
    h1 = jnp.maximum(agg * di + b1[...], 0.0)
    z = jnp.dot(h1, w2[...], preferred_element_type=jnp.float32) * di
    g2n[...] = z
    g2p[...] = jnp.concatenate(
        [z, jnp.zeros((ROW_BLK, H2P - H2), jnp.float32)], axis=1)


_tc2 = pl.pallas_call(
    _tc2_body,
    grid=(GRID,),
    in_specs=[
        pl.BlockSpec((ROW_BLK, H1), lambda i: (i, 0)),
        pl.BlockSpec((ROW_BLK, H1), lambda i: (i + GRID, 0)),
        pl.BlockSpec((ROW_BLK, H1), lambda i: (i, 0)),
        pl.BlockSpec((ROW_BLK, 1), lambda i: (i, 0)),
        pl.BlockSpec((1, H1), lambda i: (0, 0)),
        pl.BlockSpec((H1, H2), lambda i: (0, 0)),
    ],
    out_specs=[
        pl.BlockSpec((ROW_BLK, H2P), lambda i: (i, 0)),
        pl.BlockSpec((ROW_BLK, H2), lambda i: (i, 0)),
    ],
    out_shape=[
        jax.ShapeDtypeStruct((NP, H2P), jnp.float32),
        jax.ShapeDtypeStruct((NP, H2), jnp.float32),
    ],
)


def _tc3_body(af, g2, dinv, b2, bat, wo, bo, out):
    di = dinv[...]
    a = af[...]
    agg = (a[:NP] + a[NP:])[:, :H2] - g2[...]
    h2 = jnp.maximum(agg * di + b2[...], 0.0)
    onehot = (bat[...] == lax.broadcasted_iota(jnp.int32, (NP, G), 1))
    onehot = onehot.astype(jnp.float32)
    sums = lax.dot_general(onehot, h2, (((0,), (0,)), ((), ())),
                           preferred_element_type=jnp.float32)
    counts = jnp.sum(onehot, axis=0)
    pooled = sums / jnp.maximum(counts, 1.0)[:, None]
    o = jnp.dot(pooled, wo[...], preferred_element_type=jnp.float32) + bo[...]
    out[...] = jnp.maximum(o, 0.0)


_tc3 = pl.pallas_call(
    _tc3_body,
    out_shape=jax.ShapeDtypeStruct((G, OUT), jnp.float32),
)


def kernel(x, edge_index, batch, embed_table, W1, b1, W2, b2, Wo, bo):
    idx = jnp.concatenate(
        [x[:, 0].astype(jnp.int32), jnp.zeros((NP - N,), jnp.int32)])
    src = jnp.concatenate(
        [edge_index[0].astype(jnp.int32), jnp.zeros((EP - E,), jnp.int32)])
    dst = jnp.concatenate(
        [edge_index[1].astype(jnp.int32), jnp.full((EP - E,), DUMMY, jnp.int32)])
    bat = jnp.concatenate(
        [batch.astype(jnp.int32), jnp.full((NP - N,), G, jnp.int32)])[:, None]

    dst2 = dst.reshape(EP // ECH, ECH)

    TW = _tc0(embed_table, W1)
    z = _embed(TW, idx)
    degf = _deg(dst)
    degp = degf.reshape(NC, NP).T
    g1, dinv = _tc1(z, degp)
    aggf = _agg1(g1, g1, src, dst2)
    g2p, g2n = _tc2(aggf, aggf, g1, dinv,
                    b1.reshape(1, H1), W2)
    aggf2 = _agg2(g2p, g2p, src, dst2)
    out = _tc3(aggf2, g2n, dinv,
               b2.reshape(1, H2), bat, Wo, bo.reshape(1, OUT))
    return out

# --- scband reference (transcript-rebuilt; emitter-appended) ---
"""Pipeline reference for scband-feedback-model-24592982737431 (READ-ONLY COPY).

The authoritative reference and input builder live on the scoring server;
editing this copy changes nothing except your own understanding.
"""

import jax, jax.numpy as jnp
import numpy as np

N = 10000
E = 160000
VOCAB = 100000
EMBED_DIM = 300
H1 = 128
H2 = 64
OUT = 6
NUM_GRAPHS = 64


def setup_inputs(seed: int = 0) -> dict:
    key = jax.random.key(seed)
    ks = jax.random.split(key, 12)
    x = jax.random.randint(ks[0], (N, 1), 0, VOCAB)
    edge_index = jax.random.randint(ks[1], (2, E), 0, N)
    batch = jnp.sort(jax.random.randint(ks[2], (N,), 0, NUM_GRAPHS))
    embed_table = jax.random.normal(ks[3], (VOCAB, EMBED_DIM), dtype=jnp.float32) * 0.1
    W1 = jax.random.normal(ks[4], (EMBED_DIM, H1), dtype=jnp.float32) * (1.0 / np.sqrt(EMBED_DIM))
    b1 = jnp.zeros((H1,), dtype=jnp.float32)
    W2 = jax.random.normal(ks[5], (H1, H2), dtype=jnp.float32) * (1.0 / np.sqrt(H1))
    b2 = jnp.zeros((H2,), dtype=jnp.float32)
    Wo = jax.random.normal(ks[6], (H2, OUT), dtype=jnp.float32) * (1.0 / np.sqrt(H2))
    bo = jnp.zeros((OUT,), dtype=jnp.float32)
    return {"x": x, "edge_index": edge_index, "batch": batch,
            "embed_table": embed_table, "W1": W1, "b1": b1,
            "W2": W2, "b2": b2, "Wo": Wo, "bo": bo}


def gcn_conv(h, edge_index, W, b, num_nodes):
    # PyG GCNConv: add self-loops, symmetric normalization, scatter-add aggregation
    h = h @ W
    loop = jnp.arange(num_nodes)
    src = jnp.concatenate([edge_index[0], loop])
    dst = jnp.concatenate([edge_index[1], loop])
    ones = jnp.ones(src.shape[0], dtype=h.dtype)
    deg = jnp.zeros((num_nodes,), dtype=h.dtype).at[dst].add(ones)
    dinv = jnp.where(deg > 0, deg ** -0.5, 0.0)
    norm = dinv[src] * dinv[dst]
    msg = h[src] * norm[:, None]
    out = jnp.zeros((num_nodes, h.shape[1]), dtype=h.dtype).at[dst].add(msg)
    return out + b


def reference(x, edge_index, batch, embed_table, W1, b1, W2, b2, Wo, bo):
    idx = x[:, 0]  # x.squeeze(1)
    h = jnp.take(embed_table, idx, axis=0)  # frozen embedding lookup
    h = jax.nn.relu(gcn_conv(h, edge_index, W1, b1, N))
    h = jax.nn.relu(gcn_conv(h, edge_index, W2, b2, N))
    # global_mean_pool over batch segment ids
    sums = jax.ops.segment_sum(h, batch, num_segments=NUM_GRAPHS)
    counts = jax.ops.segment_sum(jnp.ones((h.shape[0],), dtype=h.dtype), batch, num_segments=NUM_GRAPHS)
    pooled = sums / jnp.clip(counts, 1.0)[:, None]
    out = jax.nn.relu(pooled @ Wo + bo)
    return out

if __name__ == "__main__":
    import jax
    _d = setup_inputs()
    print(jax.jit(kernel)(*tuple(_d.values())))

</pallas_src>

<mosaic_0001>
#map = affine_map<(d0, d1) -> (0, 0)>
#map1 = affine_map<(d0, d1) -> (0)>
module attributes {stable_mosaic.version = 14 : i64} {
  func.func @_agg_body(%arg0: i32, %arg1: i32, %arg2: memref<10240x128xf32, #tpu.memory_space<hbm>>, %arg3: memref<10240x128xf32, #tpu.memory_space<hbm>>, %arg4: memref<163840xi32, #tpu.memory_space<hbm>>, %arg5: memref<1280x128xi32, #tpu.memory_space<hbm>>, %arg6: memref<20480x128xf32, #tpu.memory_space<hbm>>, %arg7: memref<10240x128xf32, #tpu.memory_space<vmem_shared>>, %arg8: memref<5120xi32, #tpu.memory_space<vmem>>, %arg9: memref<40x128xi32, #tpu.memory_space<vmem>>, %arg10: memref<128x128xf32, #tpu.memory_space<vmem>>, %arg11: memref<128x128xf32, #tpu.memory_space<vmem>>, %arg12: memref<!tpu.dma_semaphore, #tpu.memory_space<semaphore_mem>>, %arg13: memref<!tpu.dma_semaphore, #tpu.memory_space<semaphore_mem>>) attributes {dimension_semantics = [#tpu.dimension_semantics<core_parallel>, #tpu.dimension_semantics<subcore_parallel>], iteration_bounds = array<i64: 2, 16>, scalar_prefetch = 0 : i64, scratch_operands = 7 : i64, tpu.core_type = #tpu.core_type<sc_vector_subcore>, window_params = [{transform_indices = #map}, {transform_indices = #map}, {transform_indices = #map1}, {transform_indices = #map}, {transform_indices = #map}]} {
    %mul3A = arith.constant 640 : i32
    %mul3A_0 = arith.muli %arg1, %mul3A : i32
    %mul3A_1 = arith.constant 640 : i32
    %mul3A_2 = arith.muli %arg1, %mul3A_1 : i32
    "tpu.region"() ({
      %run_scoped3A = tpu.sem_alloc : memref<!tpu.dma_semaphore, #tpu.memory_space<semaphore_mem>>
      %dma_start3A_34 = arith.constant 0 : i32
      %dma_start3A_35 = tpu.memref_slice %arg7[%mul3A_2, %dma_start3A_34] : memref<10240x128xf32, #tpu.memory_space<vmem_shared>> -> memref<640x128xf32, #tpu.memory_space<vmem_shared>>
      %dma_start3A_36 = arith.constant 0 : i32
      %dma_start3A_37 = tpu.memref_slice %arg3[%mul3A_0, %dma_start3A_36] : memref<10240x128xf32, #tpu.memory_space<hbm>> -> memref<640x128xf32, #tpu.memory_space<hbm>>
      tpu.enqueue_dma source(%dma_start3A_37 : memref<640x128xf32, #tpu.memory_space<hbm>>) target(%dma_start3A_35 : memref<640x128xf32, #tpu.memory_space<vmem_shared>>) target_semaphore(%run_scoped3A : memref<!tpu.dma_semaphore, #tpu.memory_space<semaphore_mem>>)
      %dma_wait3A = arith.constant 0 : i32
      %dma_wait3A_38 = tpu.memref_slice %arg7[%mul3A_2, %dma_wait3A] : memref<10240x128xf32, #tpu.memory_space<vmem_shared>> -> memref<640x128xf32, #tpu.memory_space<vmem_shared>>
      %dma_wait3A_39 = arith.constant 0 : i32
      %dma_wait3A_40 = tpu.memref_slice %arg3[%mul3A_0, %dma_wait3A_39] : memref<10240x128xf32, #tpu.memory_space<hbm>> -> memref<640x128xf32, #tpu.memory_space<hbm>>
      tpu.wait_dma2 semaphore(%run_scoped3A : memref<!tpu.dma_semaphore, #tpu.memory_space<semaphore_mem>>) src(%dma_wait3A_40 : memref<640x128xf32, #tpu.memory_space<hbm>>) dst(%dma_wait3A_38 : memref<640x128xf32, #tpu.memory_space<vmem_shared>>)
      tpu.yield
    }) : () -> ()
    %mul3A_3 = arith.constant 16 : i32
    %mul3A_4 = arith.muli %arg0, %mul3A_3 : i32
    %add3A = arith.addi %mul3A_4, %arg1 : i32
    %mul3A_5 = arith.constant 5120 : i32
    %mul3A_6 = arith.muli %add3A, %mul3A_5 : i32
    %mul3A_7 = arith.constant 640 : i32
    %mul3A_8 = arith.muli %arg0, %mul3A_7 : i32
    %mul3A_9 = arith.constant 40 : i32
    %mul3A_10 = arith.muli %arg1, %mul3A_9 : i32
    %add3A_11 = arith.addi %mul3A_8, %mul3A_10 : i32
    "tpu.region"() ({
      %run_scoped3A = tpu.sem_alloc : memref<!tpu.dma_semaphore, #tpu.memory_space<semaphore_mem>>
      %dma_start3A_34 = tpu.memref_slice %arg4[%mul3A_6] : memref<163840xi32, #tpu.memory_space<hbm>> -> memref<5120xi32, #tpu.memory_space<hbm>>
      %dma_start3A_35 = tpu.memref_slice %arg4[%mul3A_6] : memref<163840xi32, #tpu.memory_space<hbm>> -> memref<5120xi32, #tpu.memory_space<hbm>>
      tpu.enqueue_dma source(%dma_start3A_35 : memref<5120xi32, #tpu.memory_space<hbm>>) target(%arg8 : memref<5120xi32, #tpu.memory_space<vmem>>) target_semaphore(%run_scoped3A : memref<!tpu.dma_semaphore, #tpu.memory_space<semaphore_mem>>)
      %dma_wait3A = tpu.memref_slice %arg4[%mul3A_6] : memref<163840xi32, #tpu.memory_space<hbm>> -> memref<5120xi32, #tpu.memory_space<hbm>>
      %dma_wait3A_36 = tpu.memref_slice %arg4[%mul3A_6] : memref<163840xi32, #tpu.memory_space<hbm>> -> memref<5120xi32, #tpu.memory_space<hbm>>
      tpu.wait_dma2 semaphore(%run_scoped3A : memref<!tpu.dma_semaphore, #tpu.memory_space<semaphore_mem>>) src(%dma_wait3A_36 : memref<5120xi32, #tpu.memory_space<hbm>>) dst(%arg8 : memref<5120xi32, #tpu.memory_space<vmem>>)
      tpu.yield
    }) : () -> ()
    "tpu.region"() ({
      %run_scoped3A = tpu.sem_alloc : memref<!tpu.dma_semaphore, #tpu.memory_space<semaphore_mem>>
      %dma_start3A_34 = arith.constant 0 : i32
      %dma_start3A_35 = tpu.memref_slice %arg5[%add3A_11, %dma_start3A_34] : memref<1280x128xi32, #tpu.memory_space<hbm>> -> memref<40x128xi32, #tpu.memory_space<hbm>>
      %dma_start3A_36 = arith.constant 0 : i32
      %dma_start3A_37 = tpu.memref_slice %arg5[%add3A_11, %dma_start3A_36] : memref<1280x128xi32, #tpu.memory_space<hbm>> -> memref<40x128xi32, #tpu.memory_space<hbm>>
      tpu.enqueue_dma source(%dma_start3A_37 : memref<40x128xi32, #tpu.memory_space<hbm>>) target(%arg9 : memref<40x128xi32, #tpu.memory_space<vmem>>) target_semaphore(%run_scoped3A : memref<!tpu.dma_semaphore, #tpu.memory_space<semaphore_mem>>)
      %dma_wait3A = arith.constant 0 : i32
      %dma_wait3A_38 = tpu.memref_slice %arg5[%add3A_11, %dma_wait3A] : memref<1280x128xi32, #tpu.memory_space<hbm>> -> memref<40x128xi32, #tpu.memory_space<hbm>>
      %dma_wait3A_39 = arith.constant 0 : i32
      %dma_wait3A_40 = tpu.memref_slice %arg5[%add3A_11, %dma_wait3A_39] : memref<1280x128xi32, #tpu.memory_space<hbm>> -> memref<40x128xi32, #tpu.memory_space<hbm>>
      tpu.wait_dma2 semaphore(%run_scoped3A : memref<!tpu.dma_semaphore, #tpu.memory_space<semaphore_mem>>) src(%dma_wait3A_40 : memref<40x128xi32, #tpu.memory_space<hbm>>) dst(%arg9 : memref<40x128xi32, #tpu.memory_space<vmem>>)
      tpu.yield
    }) : () -> ()
    %barrier3A = arith.constant 0 : index
    tpu.barrier barrier_id(%barrier3A)
    %dma_start3A = arith.constant 0 : i32
    %dma_start3A_12 = tpu.memref_slice %arg8[%dma_start3A] : memref<5120xi32, #tpu.memory_space<vmem>> -> memref<128xi32, #tpu.memory_space<vmem>>
    %dma_start3A_13 = arith.constant 0 : i32
    %dma_start3A_14 = arith.constant 0 : i32
    %dma_start3A_15 = tpu.memref_slice %arg2[%dma_start3A_13, %dma_start3A_14] : memref<10240x128xf32, #tpu.memory_space<hbm>> -> memref<10240x128xf32, #tpu.memory_space<hbm>>
    tpu.enqueue_indirect_dma source(%dma_start3A_15 : memref<10240x128xf32, #tpu.memory_space<hbm>>) target(%arg10 : memref<128x128xf32, #tpu.memory_space<vmem>>) offsets(%dma_start3A_12 : memref<128xi32, #tpu.memory_space<vmem>>) semaphore(%arg12 : memref<!tpu.dma_semaphore, #tpu.memory_space<semaphore_mem>>)
    %dma_start3A_16 = arith.constant 128 : i32
    %dma_start3A_17 = tpu.memref_slice %arg8[%dma_start3A_16] : memref<5120xi32, #tpu.memory_space<vmem>> -> memref<128xi32, #tpu.memory_space<vmem>>
    %dma_start3A_18 = arith.constant 0 : i32
    %dma_start3A_19 = arith.constant 0 : i32
    %dma_start3A_20 = tpu.memref_slice %arg2[%dma_start3A_18, %dma_start3A_19] : memref<10240x128xf32, #tpu.memory_space<hbm>> -> memref<10240x128xf32, #tpu.memory_space<hbm>>
    tpu.enqueue_indirect_dma source(%dma_start3A_20 : memref<10240x128xf32, #tpu.memory_space<hbm>>) target(%arg11 : memref<128x128xf32, #tpu.memory_space<vmem>>) offsets(%dma_start3A_17 : memref<128xi32, #tpu.memory_space<vmem>>) semaphore(%arg13 : memref<!tpu.dma_semaphore, #tpu.memory_space<semaphore_mem>>)
    %scan3A = arith.constant 0 : i32
    %scan3A_21 = arith.constant 0 : i32
    %scan3A_22 = arith.constant 20 : i32
    %scan3A_23 = arith.addi %scan3A_21, %scan3A_22 : i32
    %scan3A_24 = arith.constant 1 : i32
    scf.for %scan3A_34 = %scan3A_21 to %scan3A_23 step %scan3A_24  : i32 {
      %mul3A_35 = arith.constant 2 : i32
      %mul3A_36 = arith.muli %scan3A_34, %mul3A_35 : i32
      %add3A_37 = arith.constant 0 : i32
      %add3A_38 = arith.addi %mul3A_36, %add3A_37 : i32
      %mul3A_39 = arith.constant 128 : i32
      %mul3A_40 = arith.muli %add3A_38, %mul3A_39 : i32
      %dma_wait3A = tpu.memref_slice %arg8[%mul3A_40] : memref<5120xi32, #tpu.memory_space<vmem>> -> memref<128xi32, #tpu.memory_space<vmem>>
      %dma_wait3A_41 = arith.constant 0 : i32
      %dma_wait3A_42 = arith.constant 0 : i32
      %dma_wait3A_43 = tpu.memref_slice %arg2[%dma_wait3A_41, %dma_wait3A_42] : memref<10240x128xf32, #tpu.memory_space<hbm>> -> memref<10240x128xf32, #tpu.memory_space<hbm>>
      tpu.wait_indirect_dma semaphore(%arg12 : memref<!tpu.dma_semaphore, #tpu.memory_space<semaphore_mem>>) src(%dma_wait3A_43 : memref<10240x128xf32, #tpu.memory_space<hbm>>) dst(%arg10 : memref<128x128xf32, #tpu.memory_space<vmem>>)
      "tpu.region"() ({
        %run_scoped3A = tpu.sem_alloc : memref<!tpu.dma_semaphore, #tpu.memory_space<semaphore_mem>>
        %dma_start3A_65 = arith.constant 0 : i32
        %dma_start3A_66 = tpu.memref_slice %arg9[%add3A_38, %dma_start3A_65] : memref<40x128xi32, #tpu.memory_space<vmem>> -> memref<1x128xi32, #tpu.memory_space<vmem>>
        %dma_start3A_67 = tpu.memref_squeeze %dma_start3A_66 : memref<1x128xi32, #tpu.memory_space<vmem>> -> memref<128xi32, #tpu.memory_space<vmem>>
        %dma_start3A_68 = arith.constant 0 : i32
        %dma_start3A_69 = arith.constant 0 : i32
        %dma_start3A_70 = tpu.memref_slice %arg7[%dma_start3A_68, %dma_start3A_69] : memref<10240x128xf32, #tpu.memory_space<vmem_shared>> -> memref<10240x128xf32, #tpu.memory_space<vmem_shared>>
        tpu.enqueue_indirect_dma source(%arg10 : memref<128x128xf32, #tpu.memory_space<vmem>>) target(%dma_start3A_70 : memref<10240x128xf32, #tpu.memory_space<vmem_shared>>) offsets(%dma_start3A_67 : memref<128xi32, #tpu.memory_space<vmem>>) semaphore(%run_scoped3A : memref<!tpu.dma_semaphore, #tpu.memory_space<semaphore_mem>>) {add = true}
        %dma_wait3A_71 = arith.constant 0 : i32
        %dma_wait3A_72 = tpu.memref_slice %arg9[%add3A_38, %dma_wait3A_71] : memref<40x128xi32, #tpu.memory_space<vmem>> -> memref<1x128xi32, #tpu.memory_space<vmem>>
        %dma_wait3A_73 = tpu.memref_squeeze %dma_wait3A_72 : memref<1x128xi32, #tpu.memory_space<vmem>> -> memref<128xi32, #tpu.memory_space<vmem>>
        %dma_wait3A_74 = arith.constant 0 : i32
        %dma_wait3A_75 = arith.constant 0 : i32
        %dma_wait3A_76 = tpu.memref_slice %arg7[%dma_wait3A_74, %dma_wait3A_75] : memref<10240x128xf32, #tpu.memory_space<vmem_shared>> -> memref<10240x128xf32, #tpu.memory_space<vmem_shared>>
        tpu.wait_indirect_dma semaphore(%run_scoped3A : memref<!tpu.dma_semaphore, #tpu.memory_space<semaphore_mem>>) src(%arg10 : memref<128x128xf32, #tpu.memory_space<vmem>>) dst(%dma_wait3A_76 : memref<10240x128xf32, #tpu.memory_space<vmem_shared>>)
        tpu.yield
      }) : () -> ()
      %add3A_44 = arith.constant 2 : i32
      %add3A_45 = arith.addi %add3A_38, %add3A_44 : i32
      %lt3A = arith.constant 40 : i32
      %lt3A_46 = arith.cmpi slt, %add3A_45, %lt3A : i32
      %convert_element_type3A = arith.extui %lt3A_46 : i1 to i32
      %cond3A = arith.constant 0 : i32
      %cond3A_47 = arith.cmpi ne, %convert_element_type3A, %cond3A : i32
      scf.if %cond3A_47 {
        %add3A_65 = arith.constant 2 : i32
        %add3A_66 = arith.addi %add3A_38, %add3A_65 : i32
        %mul3A_67 = arith.constant 128 : i32
        %mul3A_68 = arith.muli %add3A_66, %mul3A_67 : i32
        %dma_start3A_69 = tpu.memref_slice %arg8[%mul3A_68] : memref<5120xi32, #tpu.memory_space<vmem>> -> memref<128xi32, #tpu.memory_space<vmem>>
        %dma_start3A_70 = arith.constant 0 : i32
        %dma_start3A_71 = arith.constant 0 : i32
        %dma_start3A_72 = tpu.memref_slice %arg2[%dma_start3A_70, %dma_start3A_71] : memref<10240x128xf32, #tpu.memory_space<hbm>> -> memref<10240x128xf32, #tpu.memory_space<hbm>>
        tpu.enqueue_indirect_dma source(%dma_start3A_72 : memref<10240x128xf32, #tpu.memory_space<hbm>>) target(%arg10 : memref<128x128xf32, #tpu.memory_space<vmem>>) offsets(%dma_start3A_69 : memref<128xi32, #tpu.memory_space<vmem>>) semaphore(%arg12 : memref<!tpu.dma_semaphore, #tpu.memory_space<semaphore_mem>>)
      } else {
      }
      %mul3A_48 = arith.constant 2 : i32
      %mul3A_49 = arith.muli %scan3A_34, %mul3A_48 : i32
      %add3A_50 = arith.constant 1 : i32
      %add3A_51 = arith.addi %mul3A_49, %add3A_50 : i32
      %mul3A_52 = arith.constant 128 : i32
      %mul3A_53 = arith.muli %add3A_51, %mul3A_52 : i32
      %dma_wait3A_54 = tpu.memref_slice %arg8[%mul3A_53] : memref<5120xi32, #tpu.memory_space<vmem>> -> memref<128xi32, #tpu.memory_space<vmem>>
      %dma_wait3A_55 = arith.constant 0 : i32
      %dma_wait3A_56 = arith.constant 0 : i32
      %dma_wait3A_57 = tpu.memref_slice %arg2[%dma_wait3A_55, %dma_wait3A_56] : memref<10240x128xf32, #tpu.memory_space<hbm>> -> memref<10240x128xf32, #tpu.memory_space<hbm>>
      tpu.wait_indirect_dma semaphore(%arg13 : memref<!tpu.dma_semaphore, #tpu.memory_space<semaphore_mem>>) src(%dma_wait3A_57 : memref<10240x128xf32, #tpu.memory_space<hbm>>) dst(%arg11 : memref<128x128xf32, #tpu.memory_space<vmem>>)
      "tpu.region"() ({
        %run_scoped3A = tpu.sem_alloc : memref<!tpu.dma_semaphore, #tpu.memory_space<semaphore_mem>>
        %dma_start3A_65 = arith.constant 0 : i32
        %dma_start3A_66 = tpu.memref_slice %arg9[%add3A_51, %dma_start3A_65] : memref<40x128xi32, #tpu.memory_space<vmem>> -> memref<1x128xi32, #tpu.memory_space<vmem>>
        %dma_start3A_67 = tpu.memref_squeeze %dma_start3A_66 : memref<1x128xi32, #tpu.memory_space<vmem>> -> memref<128xi32, #tpu.memory_space<vmem>>
        %dma_start3A_68 = arith.constant 0 : i32
        %dma_start3A_69 = arith.constant 0 : i32
        %dma_start3A_70 = tpu.memref_slice %arg7[%dma_start3A_68, %dma_start3A_69] : memref<10240x128xf32, #tpu.memory_space<vmem_shared>> -> memref<10240x128xf32, #tpu.memory_space<vmem_shared>>
        tpu.enqueue_indirect_dma source(%arg11 : memref<128x128xf32, #tpu.memory_space<vmem>>) target(%dma_start3A_70 : memref<10240x128xf32, #tpu.memory_space<vmem_shared>>) offsets(%dma_start3A_67 : memref<128xi32, #tpu.memory_space<vmem>>) semaphore(%run_scoped3A : memref<!tpu.dma_semaphore, #tpu.memory_space<semaphore_mem>>) {add = true}
        %dma_wait3A_71 = arith.constant 0 : i32
        %dma_wait3A_72 = tpu.memref_slice %arg9[%add3A_51, %dma_wait3A_71] : memref<40x128xi32, #tpu.memory_space<vmem>> -> memref<1x128xi32, #tpu.memory_space<vmem>>
        %dma_wait3A_73 = tpu.memref_squeeze %dma_wait3A_72 : memref<1x128xi32, #tpu.memory_space<vmem>> -> memref<128xi32, #tpu.memory_space<vmem>>
        %dma_wait3A_74 = arith.constant 0 : i32
        %dma_wait3A_75 = arith.constant 0 : i32
        %dma_wait3A_76 = tpu.memref_slice %arg7[%dma_wait3A_74, %dma_wait3A_75] : memref<10240x128xf32, #tpu.memory_space<vmem_shared>> -> memref<10240x128xf32, #tpu.memory_space<vmem_shared>>
        tpu.wait_indirect_dma semaphore(%run_scoped3A : memref<!tpu.dma_semaphore, #tpu.memory_space<semaphore_mem>>) src(%arg11 : memref<128x128xf32, #tpu.memory_space<vmem>>) dst(%dma_wait3A_76 : memref<10240x128xf32, #tpu.memory_space<vmem_shared>>)
        tpu.yield
      }) : () -> ()
      %add3A_58 = arith.constant 2 : i32
      %add3A_59 = arith.addi %add3A_51, %add3A_58 : i32
      %lt3A_60 = arith.constant 40 : i32
      %lt3A_61 = arith.cmpi slt, %add3A_59, %lt3A_60 : i32
      %convert_element_type3A_62 = arith.extui %lt3A_61 : i1 to i32
      %cond3A_63 = arith.constant 0 : i32
      %cond3A_64 = arith.cmpi ne, %convert_element_type3A_62, %cond3A_63 : i32
      scf.if %cond3A_64 {
        %add3A_65 = arith.constant 2 : i32
        %add3A_66 = arith.addi %add3A_51, %add3A_65 : i32
        %mul3A_67 = arith.constant 128 : i32
        %mul3A_68 = arith.muli %add3A_66, %mul3A_67 : i32
        %dma_start3A_69 = tpu.memref_slice %arg8[%mul3A_68] : memref<5120xi32, #tpu.memory_space<vmem>> -> memref<128xi32, #tpu.memory_space<vmem>>
        %dma_start3A_70 = arith.constant 0 : i32
        %dma_start3A_71 = arith.constant 0 : i32
        %dma_start3A_72 = tpu.memref_slice %arg2[%dma_start3A_70, %dma_start3A_71] : memref<10240x128xf32, #tpu.memory_space<hbm>> -> memref<10240x128xf32, #tpu.memory_space<hbm>>
        tpu.enqueue_indirect_dma source(%dma_start3A_72 : memref<10240x128xf32, #tpu.memory_space<hbm>>) target(%arg11 : memref<128x128xf32, #tpu.memory_space<vmem>>) offsets(%dma_start3A_69 : memref<128xi32, #tpu.memory_space<vmem>>) semaphore(%arg13 : memref<!tpu.dma_semaphore, #tpu.memory_space<semaphore_mem>>)
      } else {
      }
    }
    %scan3A_25 = arith.constant 20 : i32
    %barrier3A_26 = arith.constant 0 : index
    tpu.barrier barrier_id(%barrier3A_26)
    %mul3A_27 = arith.constant 640 : i32
    %mul3A_28 = arith.muli %arg1, %mul3A_27 : i32
    %mul3A_29 = arith.constant 10240 : i32
    %mul3A_30 = arith.muli %arg0, %mul3A_29 : i32
    %mul3A_31 = arith.constant 640 : i32
    %mul3A_32 = arith.muli %arg1, %mul3A_31 : i32
    %add3A_33 = arith.addi %mul3A_30, %mul3A_32 : i32
    "tpu.region"() ({
      %run_scoped3A = tpu.sem_alloc : memref<!tpu.dma_semaphore, #tpu.memory_space<semaphore_mem>>
      %dma_start3A_34 = arith.constant 0 : i32
      %dma_start3A_35 = tpu.memref_slice %arg6[%add3A_33, %dma_start3A_34] : memref<20480x128xf32, #tpu.memory_space<hbm>> -> memref<640x128xf32, #tpu.memory_space<hbm>>
      %dma_start3A_36 = arith.constant 0 : i32
      %dma_start3A_37 = tpu.memref_slice %arg7[%mul3A_28, %dma_start3A_36] : memref<10240x128xf32, #tpu.memory_space<vmem_shared>> -> memref<640x128xf32, #tpu.memory_space<vmem_shared>>
      tpu.enqueue_dma source(%dma_start3A_37 : memref<640x128xf32, #tpu.memory_space<vmem_shared>>) target(%dma_start3A_35 : memref<640x128xf32, #tpu.memory_space<hbm>>) target_semaphore(%run_scoped3A : memref<!tpu.dma_semaphore, #tpu.memory_space<semaphore_mem>>)
      %dma_wait3A = arith.constant 0 : i32
      %dma_wait3A_38 = tpu.memref_slice %arg6[%add3A_33, %dma_wait3A] : memref<20480x128xf32, #tpu.memory_space<hbm>> -> memref<640x128xf32, #tpu.memory_space<hbm>>
      %dma_wait3A_39 = arith.constant 0 : i32
      %dma_wait3A_40 = tpu.memref_slice %arg7[%mul3A_28, %dma_wait3A_39] : memref<10240x128xf32, #tpu.memory_space<vmem_shared>> -> memref<640x128xf32, #tpu.memory_space<vmem_shared>>
      tpu.wait_dma2 semaphore(%run_scoped3A : memref<!tpu.dma_semaphore, #tpu.memory_space<semaphore_mem>>) src(%dma_wait3A_40 : memref<640x128xf32, #tpu.memory_space<vmem_shared>>) dst(%dma_wait3A_38 : memref<640x128xf32, #tpu.memory_space<hbm>>)
      tpu.yield
    }) : () -> ()
    return
  }
}

#map = affine_map<(d0, d1) -> (0, 0)>
#map1 = affine_map<(d0, d1) -> (0)>
module attributes {stable_mosaic.version = 14 : i64} {
  func.func @_embed_body(%arg0: i32, %arg1: i32, %arg2: memref<100000x128xf32, #tpu.memory_space<hbm>>, %arg3: memref<10240xi32, #tpu.memory_space<hbm>>, %arg4: memref<10240x128xf32, #tpu.memory_space<hbm>>, %arg5: memref<80xi32, #tpu.memory_space<vmem>>, %arg6: memref<80x128xf32, #tpu.memory_space<vmem>>, %arg7: memref<!tpu.dma_semaphore, #tpu.memory_space<semaphore_mem>>) attributes {dimension_semantics = [#tpu.dimension_semantics<core_parallel>, #tpu.dimension_semantics<subcore_parallel>], iteration_bounds = array<i64: 2, 16>, scalar_prefetch = 0 : i64, scratch_operands = 3 : i64, tpu.core_type = #tpu.core_type<sc_vector_subcore>, window_params = [{transform_indices = #map}, {transform_indices = #map1}, {transform_indices = #map}]} {
    %mul3A = arith.constant 2 : i32
    %mul3A_0 = arith.muli %arg1, %mul3A : i32
    %add3A = arith.addi %mul3A_0, %arg0 : i32
    %scan3A = arith.constant 0 : i32
    %scan3A_1 = arith.constant 0 : i32
    %scan3A_2 = arith.constant 4 : i32
    %scan3A_3 = arith.addi %scan3A_1, %scan3A_2 : i32
    %scan3A_4 = arith.constant 1 : i32
    scf.for %scan3A_6 = %scan3A_1 to %scan3A_3 step %scan3A_4  : i32 {
      %mul3A_7 = arith.constant 320 : i32
      %mul3A_8 = arith.muli %add3A, %mul3A_7 : i32
      %mul3A_9 = arith.constant 80 : i32
      %mul3A_10 = arith.muli %scan3A_6, %mul3A_9 : i32
      %add3A_11 = arith.addi %mul3A_8, %mul3A_10 : i32
      "tpu.region"() ({
        %run_scoped3A = tpu.sem_alloc : memref<!tpu.dma_semaphore, #tpu.memory_space<semaphore_mem>>
        %dma_start3A_16 = tpu.memref_slice %arg3[%add3A_11] : memref<10240xi32, #tpu.memory_space<hbm>> -> memref<80xi32, #tpu.memory_space<hbm>>
        %dma_start3A_17 = tpu.memref_slice %arg3[%add3A_11] : memref<10240xi32, #tpu.memory_space<hbm>> -> memref<80xi32, #tpu.memory_space<hbm>>
        tpu.enqueue_dma source(%dma_start3A_17 : memref<80xi32, #tpu.memory_space<hbm>>) target(%arg5 : memref<80xi32, #tpu.memory_space<vmem>>) target_semaphore(%run_scoped3A : memref<!tpu.dma_semaphore, #tpu.memory_space<semaphore_mem>>)
        %dma_wait3A_18 = tpu.memref_slice %arg3[%add3A_11] : memref<10240xi32, #tpu.memory_space<hbm>> -> memref<80xi32, #tpu.memory_space<hbm>>
        %dma_wait3A_19 = tpu.memref_slice %arg3[%add3A_11] : memref<10240xi32, #tpu.memory_space<hbm>> -> memref<80xi32, #tpu.memory_space<hbm>>
        tpu.wait_dma2 semaphore(%run_scoped3A : memref<!tpu.dma_semaphore, #tpu.memory_space<semaphore_mem>>) src(%dma_wait3A_19 : memref<80xi32, #tpu.memory_space<hbm>>) dst(%arg5 : memref<80xi32, #tpu.memory_space<vmem>>)
        tpu.yield
      }) : () -> ()
      %dma_start3A = arith.constant 0 : i32
      %dma_start3A_12 = arith.constant 0 : i32
      %dma_start3A_13 = tpu.memref_slice %arg2[%dma_start3A, %dma_start3A_12] : memref<100000x128xf32, #tpu.memory_space<hbm>> -> memref<100000x128xf32, #tpu.memory_space<hbm>>
      tpu.enqueue_indirect_dma source(%dma_start3A_13 : memref<100000x128xf32, #tpu.memory_space<hbm>>) target(%arg6 : memref<80x128xf32, #tpu.memory_space<vmem>>) offsets(%arg5 : memref<80xi32, #tpu.memory_space<vmem>>) semaphore(%arg7 : memref<!tpu.dma_semaphore, #tpu.memory_space<semaphore_mem>>)
      %dma_wait3A = arith.constant 0 : i32
      %dma_wait3A_14 = arith.constant 0 : i32
      %dma_wait3A_15 = tpu.memref_slice %arg2[%dma_wait3A, %dma_wait3A_14] : memref<100000x128xf32, #tpu.memory_space<hbm>> -> memref<100000x128xf32, #tpu.memory_space<hbm>>
      tpu.wait_indirect_dma semaphore(%arg7 : memref<!tpu.dma_semaphore, #tpu.memory_space<semaphore_mem>>) src(%dma_wait3A_15 : memref<100000x128xf32, #tpu.memory_space<hbm>>) dst(%arg6 : memref<80x128xf32, #tpu.memory_space<vmem>>)
      "tpu.region"() ({
        %run_scoped3A = tpu.sem_alloc : memref<!tpu.dma_semaphore, #tpu.memory_space<semaphore_mem>>
        %dma_start3A_16 = arith.constant 0 : i32
        %dma_start3A_17 = tpu.memref_slice %arg4[%add3A_11, %dma_start3A_16] : memref<10240x128xf32, #tpu.memory_space<hbm>> -> memref<80x128xf32, #tpu.memory_space<hbm>>
        %dma_start3A_18 = arith.constant 0 : i32
        %dma_start3A_19 = tpu.memref_slice %arg4[%add3A_11, %dma_start3A_18] : memref<10240x128xf32, #tpu.memory_space<hbm>> -> memref<80x128xf32, #tpu.memory_space<hbm>>
        tpu.enqueue_dma source(%arg6 : memref<80x128xf32, #tpu.memory_space<vmem>>) target(%dma_start3A_19 : memref<80x128xf32, #tpu.memory_space<hbm>>) target_semaphore(%run_scoped3A : memref<!tpu.dma_semaphore, #tpu.memory_space<semaphore_mem>>)
        %dma_wait3A_20 = arith.constant 0 : i32
        %dma_wait3A_21 = tpu.memref_slice %arg4[%add3A_11, %dma_wait3A_20] : memref<10240x128xf32, #tpu.memory_space<hbm>> -> memref<80x128xf32, #tpu.memory_space<hbm>>
        %dma_wait3A_22 = arith.constant 0 : i32
        %dma_wait3A_23 = tpu.memref_slice %arg4[%add3A_11, %dma_wait3A_22] : memref<10240x128xf32, #tpu.memory_space<hbm>> -> memref<80x128xf32, #tpu.memory_space<hbm>>
        tpu.wait_dma2 semaphore(%run_scoped3A : memref<!tpu.dma_semaphore, #tpu.memory_space<semaphore_mem>>) src(%arg6 : memref<80x128xf32, #tpu.memory_space<vmem>>) dst(%dma_wait3A_23 : memref<80x128xf32, #tpu.memory_space<hbm>>)
        tpu.yield
      }) : () -> ()
    }
    %scan3A_5 = arith.constant 4 : i32
    return
  }
}

#map = affine_map<(d0, d1) -> (0, 0)>
#map1 = affine_map<(d0, d1) -> (0)>
module attributes {stable_mosaic.version = 14 : i64} {
  func.func @_agg_body(%arg0: i32, %arg1: i32, %arg2: memref<10240x128xf32, #tpu.memory_space<hbm>>, %arg3: memref<10240x128xf32, #tpu.memory_space<hbm>>, %arg4: memref<163840xi32, #tpu.memory_space<hbm>>, %arg5: memref<1280x128xi32, #tpu.memory_space<hbm>>, %arg6: memref<20480x128xf32, #tpu.memory_space<hbm>>, %arg7: memref<10240x128xf32, #tpu.memory_space<vmem_shared>>, %arg8: memref<5120xi32, #tpu.memory_space<vmem>>, %arg9: memref<40x128xi32, #tpu.memory_space<vmem>>, %arg10: memref<128x128xf32, #tpu.memory_space<vmem>>, %arg11: memref<128x128xf32, #tpu.memory_space<vmem>>, %arg12: memref<!tpu.dma_semaphore, #tpu.memory_space<semaphore_mem>>, %arg13: memref<!tpu.dma_semaphore, #tpu.memory_space<semaphore_mem>>) attributes {dimension_semantics = [#tpu.dimension_semantics<core_parallel>, #tpu.dimension_semantics<subcore_parallel>], iteration_bounds = array<i64: 2, 16>, scalar_prefetch = 0 : i64, scratch_operands = 7 : i64, tpu.core_type = #tpu.core_type<sc_vector_subcore>, window_params = [{transform_indices = #map}, {transform_indices = #map}, {transform_indices = #map1}, {transform_indices = #map}, {transform_indices = #map}]} {
    %mul3A = arith.constant 640 : i32
    %mul3A_0 = arith.muli %arg1, %mul3A : i32
    %mul3A_1 = arith.constant 640 : i32
    %mul3A_2 = arith.muli %arg1, %mul3A_1 : i32
    "tpu.region"() ({
      %run_scoped3A = tpu.sem_alloc : memref<!tpu.dma_semaphore, #tpu.memory_space<semaphore_mem>>
      %dma_start3A_34 = arith.constant 0 : i32
      %dma_start3A_35 = tpu.memref_slice %arg7[%mul3A_2, %dma_start3A_34] : memref<10240x128xf32, #tpu.memory_space<vmem_shared>> -> memref<640x128xf32, #tpu.memory_space<vmem_shared>>
      %dma_start3A_36 = arith.constant 0 : i32
      %dma_start3A_37 = tpu.memref_slice %arg3[%mul3A_0, %dma_start3A_36] : memref<10240x128xf32, #tpu.memory_space<hbm>> -> memref<640x128xf32, #tpu.memory_space<hbm>>
      tpu.enqueue_dma source(%dma_start3A_37 : memref<640x128xf32, #tpu.memory_space<hbm>>) target(%dma_start3A_35 : memref<640x128xf32, #tpu.memory_space<vmem_shared>>) target_semaphore(%run_scoped3A : memref<!tpu.dma_semaphore, #tpu.memory_space<semaphore_mem>>)
      %dma_wait3A = arith.constant 0 : i32
      %dma_wait3A_38 = tpu.memref_slice %arg7[%mul3A_2, %dma_wait3A] : memref<10240x128xf32, #tpu.memory_space<vmem_shared>> -> memref<640x128xf32, #tpu.memory_space<vmem_shared>>
      %dma_wait3A_39 = arith.constant 0 : i32
      %dma_wait3A_40 = tpu.memref_slice %arg3[%mul3A_0, %dma_wait3A_39] : memref<10240x128xf32, #tpu.memory_space<hbm>> -> memref<640x128xf32, #tpu.memory_space<hbm>>
      tpu.wait_dma2 semaphore(%run_scoped3A : memref<!tpu.dma_semaphore, #tpu.memory_space<semaphore_mem>>) src(%dma_wait3A_40 : memref<640x128xf32, #tpu.memory_space<hbm>>) dst(%dma_wait3A_38 : memref<640x128xf32, #tpu.memory_space<vmem_shared>>)
      tpu.yield
    }) : () -> ()
    %mul3A_3 = arith.constant 16 : i32
    %mul3A_4 = arith.muli %arg0, %mul3A_3 : i32
    %add3A = arith.addi %mul3A_4, %arg1 : i32
    %mul3A_5 = arith.constant 5120 : i32
    %mul3A_6 = arith.muli %add3A, %mul3A_5 : i32
    %mul3A_7 = arith.constant 640 : i32
    %mul3A_8 = arith.muli %arg0, %mul3A_7 : i32
    %mul3A_9 = arith.constant 40 : i32
    %mul3A_10 = arith.muli %arg1, %mul3A_9 : i32
    %add3A_11 = arith.addi %mul3A_8, %mul3A_10 : i32
    "tpu.region"() ({
      %run_scoped3A = tpu.sem_alloc : memref<!tpu.dma_semaphore, #tpu.memory_space<semaphore_mem>>
      %dma_start3A_34 = tpu.memref_slice %arg4[%mul3A_6] : memref<163840xi32, #tpu.memory_space<hbm>> -> memref<5120xi32, #tpu.memory_space<hbm>>
      %dma_start3A_35 = tpu.memref_slice %arg4[%mul3A_6] : memref<163840xi32, #tpu.memory_space<hbm>> -> memref<5120xi32, #tpu.memory_space<hbm>>
      tpu.enqueue_dma source(%dma_start3A_35 : memref<5120xi32, #tpu.memory_space<hbm>>) target(%arg8 : memref<5120xi32, #tpu.memory_space<vmem>>) target_semaphore(%run_scoped3A : memref<!tpu.dma_semaphore, #tpu.memory_space<semaphore_mem>>)
      %dma_wait3A = tpu.memref_slice %arg4[%mul3A_6] : memref<163840xi32, #tpu.memory_space<hbm>> -> memref<5120xi32, #tpu.memory_space<hbm>>
      %dma_wait3A_36 = tpu.memref_slice %arg4[%mul3A_6] : memref<163840xi32, #tpu.memory_space<hbm>> -> memref<5120xi32, #tpu.memory_space<hbm>>
      tpu.wait_dma2 semaphore(%run_scoped3A : memref<!tpu.dma_semaphore, #tpu.memory_space<semaphore_mem>>) src(%dma_wait3A_36 : memref<5120xi32, #tpu.memory_space<hbm>>) dst(%arg8 : memref<5120xi32, #tpu.memory_space<vmem>>)
      tpu.yield
    }) : () -> ()
    "tpu.region"() ({
      %run_scoped3A = tpu.sem_alloc : memref<!tpu.dma_semaphore, #tpu.memory_space<semaphore_mem>>
      %dma_start3A_34 = arith.constant 0 : i32
      %dma_start3A_35 = tpu.memref_slice %arg5[%add3A_11, %dma_start3A_34] : memref<1280x128xi32, #tpu.memory_space<hbm>> -> memref<40x128xi32, #tpu.memory_space<hbm>>
      %dma_start3A_36 = arith.constant 0 : i32
      %dma_start3A_37 = tpu.memref_slice %arg5[%add3A_11, %dma_start3A_36] : memref<1280x128xi32, #tpu.memory_space<hbm>> -> memref<40x128xi32, #tpu.memory_space<hbm>>
      tpu.enqueue_dma source(%dma_start3A_37 : memref<40x128xi32, #tpu.memory_space<hbm>>) target(%arg9 : memref<40x128xi32, #tpu.memory_space<vmem>>) target_semaphore(%run_scoped3A : memref<!tpu.dma_semaphore, #tpu.memory_space<semaphore_mem>>)
      %dma_wait3A = arith.constant 0 : i32
      %dma_wait3A_38 = tpu.memref_slice %arg5[%add3A_11, %dma_wait3A] : memref<1280x128xi32, #tpu.memory_space<hbm>> -> memref<40x128xi32, #tpu.memory_space<hbm>>
      %dma_wait3A_39 = arith.constant 0 : i32
      %dma_wait3A_40 = tpu.memref_slice %arg5[%add3A_11, %dma_wait3A_39] : memref<1280x128xi32, #tpu.memory_space<hbm>> -> memref<40x128xi32, #tpu.memory_space<hbm>>
      tpu.wait_dma2 semaphore(%run_scoped3A : memref<!tpu.dma_semaphore, #tpu.memory_space<semaphore_mem>>) src(%dma_wait3A_40 : memref<40x128xi32, #tpu.memory_space<hbm>>) dst(%arg9 : memref<40x128xi32, #tpu.memory_space<vmem>>)
      tpu.yield
    }) : () -> ()
    %barrier3A = arith.constant 0 : index
    tpu.barrier barrier_id(%barrier3A)
    %dma_start3A = arith.constant 0 : i32
    %dma_start3A_12 = tpu.memref_slice %arg8[%dma_start3A] : memref<5120xi32, #tpu.memory_space<vmem>> -> memref<128xi32, #tpu.memory_space<vmem>>
    %dma_start3A_13 = arith.constant 0 : i32
    %dma_start3A_14 = arith.constant 0 : i32
    %dma_start3A_15 = tpu.memref_slice %arg2[%dma_start3A_13, %dma_start3A_14] : memref<10240x128xf32, #tpu.memory_space<hbm>> -> memref<10240x128xf32, #tpu.memory_space<hbm>>
    tpu.enqueue_indirect_dma source(%dma_start3A_15 : memref<10240x128xf32, #tpu.memory_space<hbm>>) target(%arg10 : memref<128x128xf32, #tpu.memory_space<vmem>>) offsets(%dma_start3A_12 : memref<128xi32, #tpu.memory_space<vmem>>) semaphore(%arg12 : memref<!tpu.dma_semaphore, #tpu.memory_space<semaphore_mem>>)
    %dma_start3A_16 = arith.constant 128 : i32
    %dma_start3A_17 = tpu.memref_slice %arg8[%dma_start3A_16] : memref<5120xi32, #tpu.memory_space<vmem>> -> memref<128xi32, #tpu.memory_space<vmem>>
    %dma_start3A_18 = arith.constant 0 : i32
    %dma_start3A_19 = arith.constant 0 : i32
    %dma_start3A_20 = tpu.memref_slice %arg2[%dma_start3A_18, %dma_start3A_19] : memref<10240x128xf32, #tpu.memory_space<hbm>> -> memref<10240x128xf32, #tpu.memory_space<hbm>>
    tpu.enqueue_indirect_dma source(%dma_start3A_20 : memref<10240x128xf32, #tpu.memory_space<hbm>>) target(%arg11 : memref<128x128xf32, #tpu.memory_space<vmem>>) offsets(%dma_start3A_17 : memref<128xi32, #tpu.memory_space<vmem>>) semaphore(%arg13 : memref<!tpu.dma_semaphore, #tpu.memory_space<semaphore_mem>>)
    %scan3A = arith.constant 0 : i32
    %scan3A_21 = arith.constant 0 : i32
    %scan3A_22 = arith.constant 20 : i32
    %scan3A_23 = arith.addi %scan3A_21, %scan3A_22 : i32
    %scan3A_24 = arith.constant 1 : i32
    scf.for %scan3A_34 = %scan3A_21 to %scan3A_23 step %scan3A_24  : i32 {
      %mul3A_35 = arith.constant 2 : i32
      %mul3A_36 = arith.muli %scan3A_34, %mul3A_35 : i32
      %add3A_37 = arith.constant 0 : i32
      %add3A_38 = arith.addi %mul3A_36, %add3A_37 : i32
      %mul3A_39 = arith.constant 128 : i32
      %mul3A_40 = arith.muli %add3A_38, %mul3A_39 : i32
      %dma_wait3A = tpu.memref_slice %arg8[%mul3A_40] : memref<5120xi32, #tpu.memory_space<vmem>> -> memref<128xi32, #tpu.memory_space<vmem>>
      %dma_wait3A_41 = arith.constant 0 : i32
      %dma_wait3A_42 = arith.constant 0 : i32
      %dma_wait3A_43 = tpu.memref_slice %arg2[%dma_wait3A_41, %dma_wait3A_42] : memref<10240x128xf32, #tpu.memory_space<hbm>> -> memref<10240x128xf32, #tpu.memory_space<hbm>>
      tpu.wait_indirect_dma semaphore(%arg12 : memref<!tpu.dma_semaphore, #tpu.memory_space<semaphore_mem>>) src(%dma_wait3A_43 : memref<10240x128xf32, #tpu.memory_space<hbm>>) dst(%arg10 : memref<128x128xf32, #tpu.memory_space<vmem>>)
      "tpu.region"() ({
        %run_scoped3A = tpu.sem_alloc : memref<!tpu.dma_semaphore, #tpu.memory_space<semaphore_mem>>
        %dma_start3A_65 = arith.constant 0 : i32
        %dma_start3A_66 = tpu.memref_slice %arg9[%add3A_38, %dma_start3A_65] : memref<40x128xi32, #tpu.memory_space<vmem>> -> memref<1x128xi32, #tpu.memory_space<vmem>>
        %dma_start3A_67 = tpu.memref_squeeze %dma_start3A_66 : memref<1x128xi32, #tpu.memory_space<vmem>> -> memref<128xi32, #tpu.memory_space<vmem>>
        %dma_start3A_68 = arith.constant 0 : i32
        %dma_start3A_69 = arith.constant 0 : i32
        %dma_start3A_70 = tpu.memref_slice %arg7[%dma_start3A_68, %dma_start3A_69] : memref<10240x128xf32, #tpu.memory_space<vmem_shared>> -> memref<10240x128xf32, #tpu.memory_space<vmem_shared>>
        tpu.enqueue_indirect_dma source(%arg10 : memref<128x128xf32, #tpu.memory_space<vmem>>) target(%dma_start3A_70 : memref<10240x128xf32, #tpu.memory_space<vmem_shared>>) offsets(%dma_start3A_67 : memref<128xi32, #tpu.memory_space<vmem>>) semaphore(%run_scoped3A : memref<!tpu.dma_semaphore, #tpu.memory_space<semaphore_mem>>) {add = true}
        %dma_wait3A_71 = arith.constant 0 : i32
        %dma_wait3A_72 = tpu.memref_slice %arg9[%add3A_38, %dma_wait3A_71] : memref<40x128xi32, #tpu.memory_space<vmem>> -> memref<1x128xi32, #tpu.memory_space<vmem>>
        %dma_wait3A_73 = tpu.memref_squeeze %dma_wait3A_72 : memref<1x128xi32, #tpu.memory_space<vmem>> -> memref<128xi32, #tpu.memory_space<vmem>>
        %dma_wait3A_74 = arith.constant 0 : i32
        %dma_wait3A_75 = arith.constant 0 : i32
        %dma_wait3A_76 = tpu.memref_slice %arg7[%dma_wait3A_74, %dma_wait3A_75] : memref<10240x128xf32, #tpu.memory_space<vmem_shared>> -> memref<10240x128xf32, #tpu.memory_space<vmem_shared>>
        tpu.wait_indirect_dma semaphore(%run_scoped3A : memref<!tpu.dma_semaphore, #tpu.memory_space<semaphore_mem>>) src(%arg10 : memref<128x128xf32, #tpu.memory_space<vmem>>) dst(%dma_wait3A_76 : memref<10240x128xf32, #tpu.memory_space<vmem_shared>>)
        tpu.yield
      }) : () -> ()
      %add3A_44 = arith.constant 2 : i32
      %add3A_45 = arith.addi %add3A_38, %add3A_44 : i32
      %lt3A = arith.constant 40 : i32
      %lt3A_46 = arith.cmpi slt, %add3A_45, %lt3A : i32
      %convert_element_type3A = arith.extui %lt3A_46 : i1 to i32
      %cond3A = arith.constant 0 : i32
      %cond3A_47 = arith.cmpi ne, %convert_element_type3A, %cond3A : i32
      scf.if %cond3A_47 {
        %add3A_65 = arith.constant 2 : i32
        %add3A_66 = arith.addi %add3A_38, %add3A_65 : i32
        %mul3A_67 = arith.constant 128 : i32
        %mul3A_68 = arith.muli %add3A_66, %mul3A_67 : i32
        %dma_start3A_69 = tpu.memref_slice %arg8[%mul3A_68] : memref<5120xi32, #tpu.memory_space<vmem>> -> memref<128xi32, #tpu.memory_space<vmem>>
        %dma_start3A_70 = arith.constant 0 : i32
        %dma_start3A_71 = arith.constant 0 : i32
        %dma_start3A_72 = tpu.memref_slice %arg2[%dma_start3A_70, %dma_start3A_71] : memref<10240x128xf32, #tpu.memory_space<hbm>> -> memref<10240x128xf32, #tpu.memory_space<hbm>>
        tpu.enqueue_indirect_dma source(%dma_start3A_72 : memref<10240x128xf32, #tpu.memory_space<hbm>>) target(%arg10 : memref<128x128xf32, #tpu.memory_space<vmem>>) offsets(%dma_start3A_69 : memref<128xi32, #tpu.memory_space<vmem>>) semaphore(%arg12 : memref<!tpu.dma_semaphore, #tpu.memory_space<semaphore_mem>>)
      } else {
      }
      %mul3A_48 = arith.constant 2 : i32
      %mul3A_49 = arith.muli %scan3A_34, %mul3A_48 : i32
      %add3A_50 = arith.constant 1 : i32
      %add3A_51 = arith.addi %mul3A_49, %add3A_50 : i32
      %mul3A_52 = arith.constant 128 : i32
      %mul3A_53 = arith.muli %add3A_51, %mul3A_52 : i32
      %dma_wait3A_54 = tpu.memref_slice %arg8[%mul3A_53] : memref<5120xi32, #tpu.memory_space<vmem>> -> memref<128xi32, #tpu.memory_space<vmem>>
      %dma_wait3A_55 = arith.constant 0 : i32
      %dma_wait3A_56 = arith.constant 0 : i32
      %dma_wait3A_57 = tpu.memref_slice %arg2[%dma_wait3A_55, %dma_wait3A_56] : memref<10240x128xf32, #tpu.memory_space<hbm>> -> memref<10240x128xf32, #tpu.memory_space<hbm>>
      tpu.wait_indirect_dma semaphore(%arg13 : memref<!tpu.dma_semaphore, #tpu.memory_space<semaphore_mem>>) src(%dma_wait3A_57 : memref<10240x128xf32, #tpu.memory_space<hbm>>) dst(%arg11 : memref<128x128xf32, #tpu.memory_space<vmem>>)
      "tpu.region"() ({
        %run_scoped3A = tpu.sem_alloc : memref<!tpu.dma_semaphore, #tpu.memory_space<semaphore_mem>>
        %dma_start3A_65 = arith.constant 0 : i32
        %dma_start3A_66 = tpu.memref_slice %arg9[%add3A_51, %dma_start3A_65] : memref<40x128xi32, #tpu.memory_space<vmem>> -> memref<1x128xi32, #tpu.memory_space<vmem>>
        %dma_start3A_67 = tpu.memref_squeeze %dma_start3A_66 : memref<1x128xi32, #tpu.memory_space<vmem>> -> memref<128xi32, #tpu.memory_space<vmem>>
        %dma_start3A_68 = arith.constant 0 : i32
        %dma_start3A_69 = arith.constant 0 : i32
        %dma_start3A_70 = tpu.memref_slice %arg7[%dma_start3A_68, %dma_start3A_69] : memref<10240x128xf32, #tpu.memory_space<vmem_shared>> -> memref<10240x128xf32, #tpu.memory_space<vmem_shared>>
        tpu.enqueue_indirect_dma source(%arg11 : memref<128x128xf32, #tpu.memory_space<vmem>>) target(%dma_start3A_70 : memref<10240x128xf32, #tpu.memory_space<vmem_shared>>) offsets(%dma_start3A_67 : memref<128xi32, #tpu.memory_space<vmem>>) semaphore(%run_scoped3A : memref<!tpu.dma_semaphore, #tpu.memory_space<semaphore_mem>>) {add = true}
        %dma_wait3A_71 = arith.constant 0 : i32
        %dma_wait3A_72 = tpu.memref_slice %arg9[%add3A_51, %dma_wait3A_71] : memref<40x128xi32, #tpu.memory_space<vmem>> -> memref<1x128xi32, #tpu.memory_space<vmem>>
        %dma_wait3A_73 = tpu.memref_squeeze %dma_wait3A_72 : memref<1x128xi32, #tpu.memory_space<vmem>> -> memref<128xi32, #tpu.memory_space<vmem>>
        %dma_wait3A_74 = arith.constant 0 : i32
        %dma_wait3A_75 = arith.constant 0 : i32
        %dma_wait3A_76 = tpu.memref_slice %arg7[%dma_wait3A_74, %dma_wait3A_75] : memref<10240x128xf32, #tpu.memory_space<vmem_shared>> -> memref<10240x128xf32, #tpu.memory_space<vmem_shared>>
        tpu.wait_indirect_dma semaphore(%run_scoped3A : memref<!tpu.dma_semaphore, #tpu.memory_space<semaphore_mem>>) src(%arg11 : memref<128x128xf32, #tpu.memory_space<vmem>>) dst(%dma_wait3A_76 : memref<10240x128xf32, #tpu.memory_space<vmem_shared>>)
        tpu.yield
      }) : () -> ()
      %add3A_58 = arith.constant 2 : i32
      %add3A_59 = arith.addi %add3A_51, %add3A_58 : i32
      %lt3A_60 = arith.constant 40 : i32
      %lt3A_61 = arith.cmpi slt, %add3A_59, %lt3A_60 : i32
      %convert_element_type3A_62 = arith.extui %lt3A_61 : i1 to i32
      %cond3A_63 = arith.constant 0 : i32
      %cond3A_64 = arith.cmpi ne, %convert_element_type3A_62, %cond3A_63 : i32
      scf.if %cond3A_64 {
        %add3A_65 = arith.constant 2 : i32
        %add3A_66 = arith.addi %add3A_51, %add3A_65 : i32
        %mul3A_67 = arith.constant 128 : i32
        %mul3A_68 = arith.muli %add3A_66, %mul3A_67 : i32
        %dma_start3A_69 = tpu.memref_slice %arg8[%mul3A_68] : memref<5120xi32, #tpu.memory_space<vmem>> -> memref<128xi32, #tpu.memory_space<vmem>>
        %dma_start3A_70 = arith.constant 0 : i32
        %dma_start3A_71 = arith.constant 0 : i32
        %dma_start3A_72 = tpu.memref_slice %arg2[%dma_start3A_70, %dma_start3A_71] : memref<10240x128xf32, #tpu.memory_space<hbm>> -> memref<10240x128xf32, #tpu.memory_space<hbm>>
        tpu.enqueue_indirect_dma source(%dma_start3A_72 : memref<10240x128xf32, #tpu.memory_space<hbm>>) target(%arg11 : memref<128x128xf32, #tpu.memory_space<vmem>>) offsets(%dma_start3A_69 : memref<128xi32, #tpu.memory_space<vmem>>) semaphore(%arg13 : memref<!tpu.dma_semaphore, #tpu.memory_space<semaphore_mem>>)
      } else {
      }
    }
    %scan3A_25 = arith.constant 20 : i32
    %barrier3A_26 = arith.constant 0 : index
    tpu.barrier barrier_id(%barrier3A_26)
    %mul3A_27 = arith.constant 640 : i32
    %mul3A_28 = arith.muli %arg1, %mul3A_27 : i32
    %mul3A_29 = arith.constant 10240 : i32
    %mul3A_30 = arith.muli %arg0, %mul3A_29 : i32
    %mul3A_31 = arith.constant 640 : i32
    %mul3A_32 = arith.muli %arg1, %mul3A_31 : i32
    %add3A_33 = arith.addi %mul3A_30, %mul3A_32 : i32
    "tpu.region"() ({
      %run_scoped3A = tpu.sem_alloc : memref<!tpu.dma_semaphore, #tpu.memory_space<semaphore_mem>>
      %dma_start3A_34 = arith.constant 0 : i32
      %dma_start3A_35 = tpu.memref_slice %arg6[%add3A_33, %dma_start3A_34] : memref<20480x128xf32, #tpu.memory_space<hbm>> -> memref<640x128xf32, #tpu.memory_space<hbm>>
      %dma_start3A_36 = arith.constant 0 : i32
      %dma_start3A_37 = tpu.memref_slice %arg7[%mul3A_28, %dma_start3A_36] : memref<10240x128xf32, #tpu.memory_space<vmem_shared>> -> memref<640x128xf32, #tpu.memory_space<vmem_shared>>
      tpu.enqueue_dma source(%dma_start3A_37 : memref<640x128xf32, #tpu.memory_space<vmem_shared>>) target(%dma_start3A_35 : memref<640x128xf32, #tpu.memory_space<hbm>>) target_semaphore(%run_scoped3A : memref<!tpu.dma_semaphore, #tpu.memory_space<semaphore_mem>>)
      %dma_wait3A = arith.constant 0 : i32
      %dma_wait3A_38 = tpu.memref_slice %arg6[%add3A_33, %dma_wait3A] : memref<20480x128xf32, #tpu.memory_space<hbm>> -> memref<640x128xf32, #tpu.memory_space<hbm>>
      %dma_wait3A_39 = arith.constant 0 : i32
      %dma_wait3A_40 = tpu.memref_slice %arg7[%mul3A_28, %dma_wait3A_39] : memref<10240x128xf32, #tpu.memory_space<vmem_shared>> -> memref<640x128xf32, #tpu.memory_space<vmem_shared>>
      tpu.wait_dma2 semaphore(%run_scoped3A : memref<!tpu.dma_semaphore, #tpu.memory_space<semaphore_mem>>) src(%dma_wait3A_40 : memref<640x128xf32, #tpu.memory_space<vmem_shared>>) dst(%dma_wait3A_38 : memref<640x128xf32, #tpu.memory_space<hbm>>)
      tpu.yield
    }) : () -> ()
    return
  }
}

#map = affine_map<(d0, d1) -> (0)>
module attributes {stable_mosaic.version = 14 : i64} {
  func.func @_deg_body(%arg0: i32, %arg1: i32, %arg2: memref<163840xi32, #tpu.memory_space<hbm>>, %arg3: memref<20480xf32, #tpu.memory_space<hbm>>, %arg4: memref<128xf32, #tpu.memory_space<vmem>>, %arg5: memref<640xf32, #tpu.memory_space<vmem>>, %arg6: memref<128xi32, #tpu.memory_space<vmem>>, %arg7: memref<10240xf32, #tpu.memory_space<vmem_shared>>) attributes {dimension_semantics = [#tpu.dimension_semantics<core_parallel>, #tpu.dimension_semantics<subcore_parallel>], iteration_bounds = array<i64: 2, 16>, scalar_prefetch = 0 : i64, scratch_operands = 4 : i64, tpu.core_type = #tpu.core_type<sc_vector_subcore>, window_params = [{transform_indices = #map}, {transform_indices = #map}]} {
    %broadcast_in_dim3A = arith.constant 1.000000e+00 : f32
    %broadcast_in_dim3A_0 = vector.broadcast %broadcast_in_dim3A : f32 to vector<16xf32>
    %broadcast_in_dim3A_1 = arith.constant 0.000000e+00 : f32
    %broadcast_in_dim3A_2 = vector.broadcast %broadcast_in_dim3A_1 : f32 to vector<16xf32>
    %scan3A = arith.constant 0 : i32
    %scan3A_3 = arith.constant 0 : i32
    %scan3A_4 = arith.constant 8 : i32
    %scan3A_5 = arith.addi %scan3A_3, %scan3A_4 : i32
    %scan3A_6 = arith.constant 1 : i32
    scf.for %scan3A_28 = %scan3A_3 to %scan3A_5 step %scan3A_6  : i32 {
      %mul3A_29 = arith.constant 16 : i32
      %mul3A_30 = arith.muli %scan3A_28, %mul3A_29 : i32
      %swap3A = arith.index_cast %mul3A_30 : i32 to index
      %swap3A_31 = tpu.vector_load %arg4[%swap3A] {strides = array<i32>} : memref<128xf32, #tpu.memory_space<vmem>>, vector<16xf32>,
      %swap3A_32 = vector.shape_cast %swap3A_31 : vector<16xf32> to vector<16xf32>
      %swap3A_33 = vector.shape_cast %broadcast_in_dim3A_0 : vector<16xf32> to vector<16xf32>
      tpu.vector_store %arg4[%swap3A], %swap3A_33 {strides = array<i32>} : memref<128xf32, #tpu.memory_space<vmem>>, vector<16xf32>,
    }
    %scan3A_7 = arith.constant 8 : i32
    %scan3A_8 = arith.constant 0 : i32
    %scan3A_9 = arith.constant 0 : i32
    %scan3A_10 = arith.constant 40 : i32
    %scan3A_11 = arith.addi %scan3A_9, %scan3A_10 : i32
    %scan3A_12 = arith.constant 1 : i32
    scf.for %scan3A_28 = %scan3A_9 to %scan3A_11 step %scan3A_12  : i32 {
      %mul3A_29 = arith.constant 16 : i32
      %mul3A_30 = arith.muli %scan3A_28, %mul3A_29 : i32
      %swap3A = arith.index_cast %mul3A_30 : i32 to index
      %swap3A_31 = tpu.vector_load %arg5[%swap3A] {strides = array<i32>} : memref<640xf32, #tpu.memory_space<vmem>>, vector<16xf32>,
      %swap3A_32 = vector.shape_cast %swap3A_31 : vector<16xf32> to vector<16xf32>
      %swap3A_33 = vector.shape_cast %broadcast_in_dim3A_2 : vector<16xf32> to vector<16xf32>
      tpu.vector_store %arg5[%swap3A], %swap3A_33 {strides = array<i32>} : memref<640xf32, #tpu.memory_space<vmem>>, vector<16xf32>,
    }
    %scan3A_13 = arith.constant 40 : i32
    %mul3A = arith.constant 640 : i32
    %mul3A_14 = arith.muli %arg1, %mul3A : i32
    "tpu.region"() ({
      %run_scoped3A = tpu.sem_alloc : memref<!tpu.dma_semaphore, #tpu.memory_space<semaphore_mem>>
      %dma_start3A = tpu.memref_slice %arg7[%mul3A_14] : memref<10240xf32, #tpu.memory_space<vmem_shared>> -> memref<640xf32, #tpu.memory_space<vmem_shared>>
      %dma_start3A_28 = tpu.memref_slice %arg7[%mul3A_14] : memref<10240xf32, #tpu.memory_space<vmem_shared>> -> memref<640xf32, #tpu.memory_space<vmem_shared>>
      tpu.enqueue_dma source(%arg5 : memref<640xf32, #tpu.memory_space<vmem>>) target(%dma_start3A_28 : memref<640xf32, #tpu.memory_space<vmem_shared>>) target_semaphore(%run_scoped3A : memref<!tpu.dma_semaphore, #tpu.memory_space<semaphore_mem>>)
      %dma_wait3A = tpu.memref_slice %arg7[%mul3A_14] : memref<10240xf32, #tpu.memory_space<vmem_shared>> -> memref<640xf32, #tpu.memory_space<vmem_shared>>
      %dma_wait3A_29 = tpu.memref_slice %arg7[%mul3A_14] : memref<10240xf32, #tpu.memory_space<vmem_shared>> -> memref<640xf32, #tpu.memory_space<vmem_shared>>
      tpu.wait_dma2 semaphore(%run_scoped3A : memref<!tpu.dma_semaphore, #tpu.memory_space<semaphore_mem>>) src(%arg5 : memref<640xf32, #tpu.memory_space<vmem>>) dst(%dma_wait3A_29 : memref<640xf32, #tpu.memory_space<vmem_shared>>)
      tpu.yield
    }) : () -> ()
    %barrier3A = arith.constant 0 : index
    tpu.barrier barrier_id(%barrier3A)
    %scan3A_15 = arith.constant 0 : i32
    %scan3A_16 = arith.constant 0 : i32
    %scan3A_17 = arith.constant 40 : i32
    %scan3A_18 = arith.addi %scan3A_16, %scan3A_17 : i32
    %scan3A_19 = arith.constant 1 : i32
    scf.for %scan3A_28 = %scan3A_16 to %scan3A_18 step %scan3A_19  : i32 {
      %mul3A_29 = arith.constant 81920 : i32
      %mul3A_30 = arith.muli %arg0, %mul3A_29 : i32
      %mul3A_31 = arith.constant 5120 : i32
      %mul3A_32 = arith.muli %arg1, %mul3A_31 : i32
      %add3A_33 = arith.addi %mul3A_30, %mul3A_32 : i32
      %mul3A_34 = arith.constant 128 : i32
      %mul3A_35 = arith.muli %scan3A_28, %mul3A_34 : i32
      %add3A_36 = arith.addi %add3A_33, %mul3A_35 : i32
      "tpu.region"() ({
        %run_scoped3A = tpu.sem_alloc : memref<!tpu.dma_semaphore, #tpu.memory_space<semaphore_mem>>
        %dma_start3A = tpu.memref_slice %arg2[%add3A_36] : memref<163840xi32, #tpu.memory_space<hbm>> -> memref<128xi32, #tpu.memory_space<hbm>>
        %dma_start3A_37 = tpu.memref_slice %arg2[%add3A_36] : memref<163840xi32, #tpu.memory_space<hbm>> -> memref<128xi32, #tpu.memory_space<hbm>>
        tpu.enqueue_dma source(%dma_start3A_37 : memref<128xi32, #tpu.memory_space<hbm>>) target(%arg6 : memref<128xi32, #tpu.memory_space<vmem>>) target_semaphore(%run_scoped3A : memref<!tpu.dma_semaphore, #tpu.memory_space<semaphore_mem>>)
        %dma_wait3A = tpu.memref_slice %arg2[%add3A_36] : memref<163840xi32, #tpu.memory_space<hbm>> -> memref<128xi32, #tpu.memory_space<hbm>>
        %dma_wait3A_38 = tpu.memref_slice %arg2[%add3A_36] : memref<163840xi32, #tpu.memory_space<hbm>> -> memref<128xi32, #tpu.memory_space<hbm>>
        tpu.wait_dma2 semaphore(%run_scoped3A : memref<!tpu.dma_semaphore, #tpu.memory_space<semaphore_mem>>) src(%dma_wait3A_38 : memref<128xi32, #tpu.memory_space<hbm>>) dst(%arg6 : memref<128xi32, #tpu.memory_space<vmem>>)
        tpu.yield
      }) : () -> ()
      "tpu.region"() ({
        %run_scoped3A = tpu.sem_alloc : memref<!tpu.dma_semaphore, #tpu.memory_space<semaphore_mem>>
        %dma_start3A = arith.constant 0 : i32
        %dma_start3A_37 = tpu.memref_slice %arg7[%dma_start3A] : memref<10240xf32, #tpu.memory_space<vmem_shared>> -> memref<10240xf32, #tpu.memory_space<vmem_shared>>
        tpu.enqueue_indirect_dma source(%arg4 : memref<128xf32, #tpu.memory_space<vmem>>) target(%dma_start3A_37 : memref<10240xf32, #tpu.memory_space<vmem_shared>>) offsets(%arg6 : memref<128xi32, #tpu.memory_space<vmem>>) semaphore(%run_scoped3A : memref<!tpu.dma_semaphore, #tpu.memory_space<semaphore_mem>>) {add = true}
        %dma_wait3A = arith.constant 0 : i32
        %dma_wait3A_38 = tpu.memref_slice %arg7[%dma_wait3A] : memref<10240xf32, #tpu.memory_space<vmem_shared>> -> memref<10240xf32, #tpu.memory_space<vmem_shared>>
        tpu.wait_indirect_dma semaphore(%run_scoped3A : memref<!tpu.dma_semaphore, #tpu.memory_space<semaphore_mem>>) src(%arg4 : memref<128xf32, #tpu.memory_space<vmem>>) dst(%dma_wait3A_38 : memref<10240xf32, #tpu.memory_space<vmem_shared>>)
        tpu.yield
      }) : () -> ()
    }
    %scan3A_20 = arith.constant 40 : i32
    %barrier3A_21 = arith.constant 0 : index
    tpu.barrier barrier_id(%barrier3A_21)
    %mul3A_22 = arith.constant 640 : i32
    %mul3A_23 = arith.muli %arg1, %mul3A_22 : i32
    %mul3A_24 = arith.constant 10240 : i32
    %mul3A_25 = arith.muli %arg0, %mul3A_24 : i32
    %mul3A_26 = arith.constant 640 : i32
    %mul3A_27 = arith.muli %arg1, %mul3A_26 : i32
    %add3A = arith.addi %mul3A_25, %mul3A_27 : i32
    "tpu.region"() ({
      %run_scoped3A = tpu.sem_alloc : memref<!tpu.dma_semaphore, #tpu.memory_space<semaphore_mem>>
      %dma_start3A = tpu.memref_slice %arg3[%add3A] : memref<20480xf32, #tpu.memory_space<hbm>> -> memref<640xf32, #tpu.memory_space<hbm>>
      %dma_start3A_28 = tpu.memref_slice %arg7[%mul3A_23] : memref<10240xf32, #tpu.memory_space<vmem_shared>> -> memref<640xf32, #tpu.memory_space<vmem_shared>>
      tpu.enqueue_dma source(%dma_start3A_28 : memref<640xf32, #tpu.memory_space<vmem_shared>>) target(%dma_start3A : memref<640xf32, #tpu.memory_space<hbm>>) target_semaphore(%run_scoped3A : memref<!tpu.dma_semaphore, #tpu.memory_space<semaphore_mem>>)
      %dma_wait3A = tpu.memref_slice %arg3[%add3A] : memref<20480xf32, #tpu.memory_space<hbm>> -> memref<640xf32, #tpu.memory_space<hbm>>
      %dma_wait3A_29 = tpu.memref_slice %arg7[%mul3A_23] : memref<10240xf32, #tpu.memory_space<vmem_shared>> -> memref<640xf32, #tpu.memory_space<vmem_shared>>
      tpu.wait_dma2 semaphore(%run_scoped3A : memref<!tpu.dma_semaphore, #tpu.memory_space<semaphore_mem>>) src(%dma_wait3A_29 : memref<640xf32, #tpu.memory_space<vmem_shared>>) dst(%dma_wait3A : memref<640xf32, #tpu.memory_space<hbm>>)
      tpu.yield
    }) : () -> ()
    return
  }
}

module attributes {stable_mosaic.version = 14 : i64} {
  func.func @_tc0_body(%arg0: i32, %arg1: memref<2000x300xf32, #tpu.memory_space<vmem>>, %arg2: memref<300x128xf32, #tpu.memory_space<vmem>>, %arg3: memref<2000x128xf32, #tpu.memory_space<vmem>>) attributes {dimension_semantics = [#tpu.dimension_semantics<arbitrary>], iteration_bounds = array<i64: 50>, scalar_prefetch = 0 : i64, scratch_operands = 0 : i64, tpu.core_type = #tpu.core_type<tc>, window_params = [{transform_indices = @transform_0, window_bounds = array<i64: 2000, 300>}, {pipeline_mode = #tpu.pipeline_mode<synchronous>, transform_indices = @transform_1, window_bounds = array<i64: 300, 128>}, {transform_indices = @transform_2, window_bounds = array<i64: 2000, 128>}]} {
    %get3A = arith.constant 0 : index
    %get3A_0 = arith.constant 0 : index
    %get3A_1 = vector.load %arg1[%get3A, %get3A_0] : memref<2000x300xf32, #tpu.memory_space<vmem>>, vector<2000x300xf32>
    %get3A_2 = arith.constant 0 : index
    %get3A_3 = arith.constant 0 : index
    %get3A_4 = vector.load %arg2[%get3A_2, %get3A_3] : memref<300x128xf32, #tpu.memory_space<vmem>>, vector<300x128xf32>
    %dot_general3A = arith.constant dense<0.000000e+00> : vector<2000x128xf32>
    %dot_general3A_5 = tpu.matmul %get3A_1, %get3A_4, %dot_general3A {dimension_numbers = #tpu.dot_dimension_numbers<[1], [0], [0], [1], [0, 0, 1, 1], [], []>, transpose_lhs_hint = false} : vector<2000x300xf32>, vector<300x128xf32>, vector<2000x128xf32> -> vector<2000x128xf32>
    %swap3A = arith.constant 0 : index
    %swap3A_6 = arith.constant 0 : index
    %swap3A_7 = vector.load %arg3[%swap3A, %swap3A_6] : memref<2000x128xf32, #tpu.memory_space<vmem>>, vector<2000x128xf32>
    tpu.vector_store %arg3[%swap3A, %swap3A_6], %dot_general3A_5 {strides = array<i32>} : memref<2000x128xf32, #tpu.memory_space<vmem>>, vector<2000x128xf32>,
    return
  }
  func.func @transform_0(%arg0: i32) -> (i32, i32) {
    %c0_i32 = arith.constant 0 : i32
    %c0_i32_0 = arith.constant 0 : i32
    return %arg0, %c0_i32 : i32, i32
  }
  func.func @transform_1(%arg0: i32) -> (i32, i32) {
    %c0_i32 = arith.constant 0 : i32
    %c0_i32_0 = arith.constant 0 : i32
    %c0_i32_1 = arith.constant 0 : i32
    return %c0_i32, %c0_i32_0 : i32, i32
  }
  func.func @transform_2(%arg0: i32) -> (i32, i32) {
    %c0_i32 = arith.constant 0 : i32
    %c0_i32_0 = arith.constant 0 : i32
    return %arg0, %c0_i32 : i32, i32
  }
}

module attributes {stable_mosaic.version = 14 : i64} {
  func.func @_tc1_body(%arg0: i32, %arg1: memref<1024x128xf32, #tpu.memory_space<vmem>>, %arg2: memref<1024x2xf32, #tpu.memory_space<vmem>>, %arg3: memref<1024x128xf32, #tpu.memory_space<vmem>>, %arg4: memref<1024x1xf32, #tpu.memory_space<vmem>>) attributes {dimension_semantics = [#tpu.dimension_semantics<arbitrary>], iteration_bounds = array<i64: 10>, scalar_prefetch = 0 : i64, scratch_operands = 0 : i64, tpu.core_type = #tpu.core_type<tc>, window_params = [{transform_indices = @transform_0, window_bounds = array<i64: 1024, 128>}, {transform_indices = @transform_1, window_bounds = array<i64: 1024, 2>}, {transform_indices = @transform_2, window_bounds = array<i64: 1024, 128>}, {transform_indices = @transform_3, window_bounds = array<i64: 1024, 1>}]} {
    %get3A = arith.constant 0 : index
    %get3A_0 = arith.constant 0 : index
    %get3A_1 = vector.load %arg2[%get3A, %get3A_0] : memref<1024x2xf32, #tpu.memory_space<vmem>>, vector<1024x2xf32>
    %reduce_sum3A = arith.constant dense<0.000000e+00> : vector<1024xf32>
    %reduce_sum3A_2 = vector.multi_reduction <add>, %get3A_1, %reduce_sum3A [1] : vector<1024x2xf32> to vector<1024xf32>
    %broadcast_in_dim3A = vector.shape_cast %reduce_sum3A_2 : vector<1024xf32> to vector<1024x1xf32>
    %add3A = arith.constant 1.000000e+00 : f32
    %add3A_3 = vector.broadcast %add3A : f32 to vector<1024x1xf32>
    %add3A_4 = arith.addf %broadcast_in_dim3A, %add3A_3 : vector<1024x1xf32>
    %rsqrt3A = math.rsqrt %add3A_4 : vector<1024x1xf32>
    %get3A_5 = arith.constant 0 : index
    %get3A_6 = arith.constant 0 : index
    %get3A_7 = vector.load %arg1[%get3A_5, %get3A_6] : memref<1024x128xf32, #tpu.memory_space<vmem>>, vector<1024x128xf32>
    %mul3A = vector.broadcast %rsqrt3A : vector<1024x1xf32> to vector<1024x128xf32>
    %mul3A_8 = arith.mulf %get3A_7, %mul3A : vector<1024x128xf32>
    %swap3A = arith.constant 0 : index
    %swap3A_9 = arith.constant 0 : index
    %swap3A_10 = vector.load %arg3[%swap3A, %swap3A_9] : memref<1024x128xf32, #tpu.memory_space<vmem>>, vector<1024x128xf32>
    tpu.vector_store %arg3[%swap3A, %swap3A_9], %mul3A_8 {strides = array<i32>} : memref<1024x128xf32, #tpu.memory_space<vmem>>, vector<1024x128xf32>,
    %swap3A_11 = arith.constant 0 : index
    %swap3A_12 = arith.constant 0 : index
    %swap3A_13 = vector.load %arg4[%swap3A_11, %swap3A_12] : memref<1024x1xf32, #tpu.memory_space<vmem>>, vector<1024x1xf32>
    tpu.vector_store %arg4[%swap3A_11, %swap3A_12], %rsqrt3A {strides = array<i32>} : memref<1024x1xf32, #tpu.memory_space<vmem>>, vector<1024x1xf32>,
    return
  }
  func.func @transform_0(%arg0: i32) -> (i32, i32) {
    %c0_i32 = arith.constant 0 : i32
    %c0_i32_0 = arith.constant 0 : i32
    return %arg0, %c0_i32 : i32, i32
  }
  func.func @transform_1(%arg0: i32) -> (i32, i32) {
    %c0_i32 = arith.constant 0 : i32
    %c0_i32_0 = arith.constant 0 : i32
    return %arg0, %c0_i32 : i32, i32
  }
  func.func @transform_2(%arg0: i32) -> (i32, i32) {
    %c0_i32 = arith.constant 0 : i32
    %c0_i32_0 = arith.constant 0 : i32
    return %arg0, %c0_i32 : i32, i32
  }
  func.func @transform_3(%arg0: i32) -> (i32, i32) {
    %c0_i32 = arith.constant 0 : i32
    %c0_i32_0 = arith.constant 0 : i32
    return %arg0, %c0_i32 : i32, i32
  }
}

module attributes {stable_mosaic.version = 14 : i64} {
  func.func @_tc2_body(%arg0: i32, %arg1: memref<1024x128xf32, #tpu.memory_space<vmem>>, %arg2: memref<1024x128xf32, #tpu.memory_space<vmem>>, %arg3: memref<1024x128xf32, #tpu.memory_space<vmem>>, %arg4: memref<1024x1xf32, #tpu.memory_space<vmem>>, %arg5: memref<1x128xf32, #tpu.memory_space<vmem>>, %arg6: memref<128x64xf32, #tpu.memory_space<vmem>>, %arg7: memref<1024x128xf32, #tpu.memory_space<vmem>>, %arg8: memref<1024x64xf32, #tpu.memory_space<vmem>>) attributes {dimension_semantics = [#tpu.dimension_semantics<arbitrary>], iteration_bounds = array<i64: 10>, scalar_prefetch = 0 : i64, scratch_operands = 0 : i64, tpu.core_type = #tpu.core_type<tc>, window_params = [{transform_indices = @transform_0, window_bounds = array<i64: 1024, 128>}, {transform_indices = @transform_1, window_bounds = array<i64: 1024, 128>}, {transform_indices = @transform_2, window_bounds = array<i64: 1024, 128>}, {transform_indices = @transform_3, window_bounds = array<i64: 1024, 1>}, {pipeline_mode = #tpu.pipeline_mode<synchronous>, transform_indices = @transform_4, window_bounds = array<i64: 1, 128>}, {pipeline_mode = #tpu.pipeline_mode<synchronous>, transform_indices = @transform_5, window_bounds = array<i64: 128, 64>}, {transform_indices = @transform_6, window_bounds = array<i64: 1024, 128>}, {transform_indices = @transform_7, window_bounds = array<i64: 1024, 64>}]} {
    %get3A = arith.constant 0 : index
    %get3A_0 = arith.constant 0 : index
    %get3A_1 = vector.load %arg4[%get3A, %get3A_0] : memref<1024x1xf32, #tpu.memory_space<vmem>>, vector<1024x1xf32>
    %get3A_2 = arith.constant 0 : index
    %get3A_3 = arith.constant 0 : index
    %get3A_4 = vector.load %arg1[%get3A_2, %get3A_3] : memref<1024x128xf32, #tpu.memory_space<vmem>>, vector<1024x128xf32>
    %get3A_5 = arith.constant 0 : index
    %get3A_6 = arith.constant 0 : index
    %get3A_7 = vector.load %arg2[%get3A_5, %get3A_6] : memref<1024x128xf32, #tpu.memory_space<vmem>>, vector<1024x128xf32>
    %add3A = arith.addf %get3A_4, %get3A_7 : vector<1024x128xf32>
    %get3A_8 = arith.constant 0 : index
    %get3A_9 = arith.constant 0 : index
    %get3A_10 = vector.load %arg3[%get3A_8, %get3A_9] : memref<1024x128xf32, #tpu.memory_space<vmem>>, vector<1024x128xf32>
    %sub3A = arith.subf %add3A, %get3A_10 : vector<1024x128xf32>
    %mul3A = vector.broadcast %get3A_1 : vector<1024x1xf32> to vector<1024x128xf32>
    %mul3A_11 = arith.mulf %sub3A, %mul3A : vector<1024x128xf32>
    %get3A_12 = arith.constant 0 : index
    %get3A_13 = arith.constant 0 : index
    %get3A_14 = vector.load %arg5[%get3A_12, %get3A_13] : memref<1x128xf32, #tpu.memory_space<vmem>>, vector<1x128xf32>
    %add3A_15 = vector.broadcast %get3A_14 : vector<1x128xf32> to vector<1024x128xf32>
    %add3A_16 = arith.addf %mul3A_11, %add3A_15 : vector<1024x128xf32>
    %max3A = arith.constant 0.000000e+00 : f32
    %max3A_17 = vector.broadcast %max3A : f32 to vector<1024x128xf32>
    %max3A_18 = arith.maximumf %add3A_16, %max3A_17 : vector<1024x128xf32>
    %get3A_19 = arith.constant 0 : index
    %get3A_20 = arith.constant 0 : index
    %get3A_21 = vector.load %arg6[%get3A_19, %get3A_20] : memref<128x64xf32, #tpu.memory_space<vmem>>, vector<128x64xf32>
    %dot_general3A = arith.constant dense<0.000000e+00> : vector<1024x64xf32>
    %dot_general3A_22 = tpu.matmul %max3A_18, %get3A_21, %dot_general3A {dimension_numbers = #tpu.dot_dimension_numbers<[1], [0], [0], [1], [0, 0, 1, 1], [], []>, transpose_lhs_hint = false} : vector<1024x128xf32>, vector<128x64xf32>, vector<1024x64xf32> -> vector<1024x64xf32>
    %mul3A_23 = vector.broadcast %get3A_1 : vector<1024x1xf32> to vector<1024x64xf32>
    %mul3A_24 = arith.mulf %dot_general3A_22, %mul3A_23 : vector<1024x64xf32>
    %swap3A = arith.constant 0 : index
    %swap3A_25 = arith.constant 0 : index
    %swap3A_26 = vector.load %arg8[%swap3A, %swap3A_25] : memref<1024x64xf32, #tpu.memory_space<vmem>>, vector<1024x64xf32>
    tpu.vector_store %arg8[%swap3A, %swap3A_25], %mul3A_24 {strides = array<i32>} : memref<1024x64xf32, #tpu.memory_space<vmem>>, vector<1024x64xf32>,
    %broadcast_in_dim3A = arith.constant 0.000000e+00 : f32
    %broadcast_in_dim3A_27 = vector.broadcast %broadcast_in_dim3A : f32 to vector<1024x64xf32>
    %concatenate3A = tpu.concatenate %mul3A_24, %broadcast_in_dim3A_27 in 1 : vector<1024x64xf32>, vector<1024x64xf32> -> vector<1024x128xf32>
    %swap3A_28 = arith.constant 0 : index
    %swap3A_29 = arith.constant 0 : index
    %swap3A_30 = vector.load %arg7[%swap3A_28, %swap3A_29] : memref<1024x128xf32, #tpu.memory_space<vmem>>, vector<1024x128xf32>
    tpu.vector_store %arg7[%swap3A_28, %swap3A_29], %concatenate3A {strides = array<i32>} : memref<1024x128xf32, #tpu.memory_space<vmem>>, vector<1024x128xf32>,
    return
  }
  func.func @transform_0(%arg0: i32) -> (i32, i32) {
    %c0_i32 = arith.constant 0 : i32
    %c0_i32_0 = arith.constant 0 : i32
    return %arg0, %c0_i32 : i32, i32
  }
  func.func @transform_1(%arg0: i32) -> (i32, i32) {
    %add3A = arith.constant 10 : i32
    %add3A_0 = arith.addi %arg0, %add3A : i32
    %c0_i32 = arith.constant 0 : i32
    %c0_i32_1 = arith.constant 0 : i32
    return %add3A_0, %c0_i32 : i32, i32
  }
  func.func @transform_2(%arg0: i32) -> (i32, i32) {
    %c0_i32 = arith.constant 0 : i32
    %c0_i32_0 = arith.constant 0 : i32
    return %arg0, %c0_i32 : i32, i32
  }
  func.func @transform_3(%arg0: i32) -> (i32, i32) {
    %c0_i32 = arith.constant 0 : i32
    %c0_i32_0 = arith.constant 0 : i32
    return %arg0, %c0_i32 : i32, i32
  }
  func.func @transform_4(%arg0: i32) -> (i32, i32) {
    %c0_i32 = arith.constant 0 : i32
    %c0_i32_0 = arith.constant 0 : i32
    %c0_i32_1 = arith.constant 0 : i32
    return %c0_i32, %c0_i32_0 : i32, i32
  }
  func.func @transform_5(%arg0: i32) -> (i32, i32) {
    %c0_i32 = arith.constant 0 : i32
    %c0_i32_0 = arith.constant 0 : i32
    %c0_i32_1 = arith.constant 0 : i32
    return %c0_i32, %c0_i32_0 : i32, i32
  }
  func.func @transform_6(%arg0: i32) -> (i32, i32) {
    %c0_i32 = arith.constant 0 : i32
    %c0_i32_0 = arith.constant 0 : i32
    return %arg0, %c0_i32 : i32, i32
  }
  func.func @transform_7(%arg0: i32) -> (i32, i32) {
    %c0_i32 = arith.constant 0 : i32
    %c0_i32_0 = arith.constant 0 : i32
    return %arg0, %c0_i32 : i32, i32
  }
}

module attributes {stable_mosaic.version = 14 : i64} {
  func.func @_tc3_body(%arg0: memref<20480x128xf32, #tpu.memory_space<vmem>>, %arg1: memref<10240x64xf32, #tpu.memory_space<vmem>>, %arg2: memref<10240x1xf32, #tpu.memory_space<vmem>>, %arg3: memref<1x64xf32, #tpu.memory_space<vmem>>, %arg4: memref<10240x1xi32, #tpu.memory_space<vmem>>, %arg5: memref<64x6xf32, #tpu.memory_space<vmem>>, %arg6: memref<1x6xf32, #tpu.memory_space<vmem>>, %arg7: memref<64x6xf32, #tpu.memory_space<vmem>>) attributes {dimension_semantics = [], scalar_prefetch = 0 : i64, scratch_operands = 0 : i64, tpu.core_type = #tpu.core_type<tc>} {
    %get3A = arith.constant 0 : index
    %get3A_0 = arith.constant 0 : index
    %get3A_1 = vector.load %arg2[%get3A, %get3A_0] : memref<10240x1xf32, #tpu.memory_space<vmem>>, vector<10240x1xf32>
    %get3A_2 = arith.constant 0 : index
    %get3A_3 = arith.constant 0 : index
    %get3A_4 = vector.load %arg0[%get3A_2, %get3A_3] : memref<20480x128xf32, #tpu.memory_space<vmem>>, vector<20480x128xf32>
    %slice3A = vector.extract_strided_slice %get3A_4 {offsets = [0, 0], sizes = [10240, 128], strides = [1, 1]} : vector<20480x128xf32> to vector<10240x128xf32>
    %slice3A_5 = vector.extract_strided_slice %get3A_4 {offsets = [10240, 0], sizes = [10240, 128], strides = [1, 1]} : vector<20480x128xf32> to vector<10240x128xf32>
    %add3A = arith.addf %slice3A, %slice3A_5 : vector<10240x128xf32>
    %slice3A_6 = vector.extract_strided_slice %add3A {offsets = [0, 0], sizes = [10240, 64], strides = [1, 1]} : vector<10240x128xf32> to vector<10240x64xf32>
    %get3A_7 = arith.constant 0 : index
    %get3A_8 = arith.constant 0 : index
    %get3A_9 = vector.load %arg1[%get3A_7, %get3A_8] : memref<10240x64xf32, #tpu.memory_space<vmem>>, vector<10240x64xf32>
    %sub3A = arith.subf %slice3A_6, %get3A_9 : vector<10240x64xf32>
    %mul3A = vector.broadcast %get3A_1 : vector<10240x1xf32> to vector<10240x64xf32>
    %mul3A_10 = arith.mulf %sub3A, %mul3A : vector<10240x64xf32>
    %get3A_11 = arith.constant 0 : index
    %get3A_12 = arith.constant 0 : index
    %get3A_13 = vector.load %arg3[%get3A_11, %get3A_12] : memref<1x64xf32, #tpu.memory_space<vmem>>, vector<1x64xf32>
    %add3A_14 = vector.broadcast %get3A_13 : vector<1x64xf32> to vector<10240x64xf32>
    %add3A_15 = arith.addf %mul3A_10, %add3A_14 : vector<10240x64xf32>
    %max3A = arith.constant 0.000000e+00 : f32
    %max3A_16 = vector.broadcast %max3A : f32 to vector<10240x64xf32>
    %max3A_17 = arith.maximumf %add3A_15, %max3A_16 : vector<10240x64xf32>
    %get3A_18 = arith.constant 0 : index
    %get3A_19 = arith.constant 0 : index
    %get3A_20 = vector.load %arg4[%get3A_18, %get3A_19] : memref<10240x1xi32, #tpu.memory_space<vmem>>, vector<10240x1xi32>
    %iota3A = tpu.iota {dimensions = array<i32: 1>} : vector<10240x64xi32>
    %eq3A = vector.broadcast %get3A_20 : vector<10240x1xi32> to vector<10240x64xi32>
    %eq3A_21 = arith.cmpi eq, %eq3A, %iota3A : vector<10240x64xi32>
    %convert_element_type3A = arith.extui %eq3A_21 : vector<10240x64xi1> to vector<10240x64xi32>
    %convert_element_type3A_22 = arith.sitofp %convert_element_type3A : vector<10240x64xi32> to vector<10240x64xf32>
    %dot_general3A = arith.constant dense<0.000000e+00> : vector<64x64xf32>
    %dot_general3A_23 = tpu.matmul %convert_element_type3A_22, %max3A_17, %dot_general3A {dimension_numbers = #tpu.dot_dimension_numbers<[0], [0], [1], [1], [0, 1, 1, 1], [], []>, transpose_lhs_hint = false} : vector<10240x64xf32>, vector<10240x64xf32>, vector<64x64xf32> -> vector<64x64xf32>
    %reduce_sum3A = arith.constant dense<0.000000e+00> : vector<64xf32>
    %reduce_sum3A_24 = vector.multi_reduction <add>, %convert_element_type3A_22, %reduce_sum3A [0] : vector<10240x64xf32> to vector<64xf32>
    %max3A_25 = arith.constant 1.000000e+00 : f32
    %max3A_26 = vector.broadcast %max3A_25 : f32 to vector<64xf32>
    %max3A_27 = arith.maximumf %reduce_sum3A_24, %max3A_26 : vector<64xf32>
    %broadcast_in_dim3A = vector.shape_cast %max3A_27 : vector<64xf32> to vector<64x1xf32>
    %div3A = vector.broadcast %broadcast_in_dim3A : vector<64x1xf32> to vector<64x64xf32>
    %div3A_28 = arith.divf %dot_general3A_23, %div3A : vector<64x64xf32>
    %get3A_29 = arith.constant 0 : index
    %get3A_30 = arith.constant 0 : index
    %get3A_31 = vector.load %arg5[%get3A_29, %get3A_30] : memref<64x6xf32, #tpu.memory_space<vmem>>, vector<64x6xf32>
    %dot_general3A_32 = arith.constant dense<0.000000e+00> : vector<64x6xf32>
    %dot_general3A_33 = tpu.matmul %div3A_28, %get3A_31, %dot_general3A_32 {dimension_numbers = #tpu.dot_dimension_numbers<[1], [0], [0], [1], [0, 0, 1, 1], [], []>, transpose_lhs_hint = false} : vector<64x64xf32>, vector<64x6xf32>, vector<64x6xf32> -> vector<64x6xf32>
    %get3A_34 = arith.constant 0 : index
    %get3A_35 = arith.constant 0 : index
    %get3A_36 = vector.load %arg6[%get3A_34, %get3A_35] : memref<1x6xf32, #tpu.memory_space<vmem>>, vector<1x6xf32>
    %add3A_37 = vector.broadcast %get3A_36 : vector<1x6xf32> to vector<64x6xf32>
    %add3A_38 = arith.addf %dot_general3A_33, %add3A_37 : vector<64x6xf32>
    %max3A_39 = arith.constant 0.000000e+00 : f32
    %max3A_40 = vector.broadcast %max3A_39 : f32 to vector<64x6xf32>
    %max3A_41 = arith.maximumf %add3A_38, %max3A_40 : vector<64x6xf32>
    %swap3A = arith.constant 0 : index
    %swap3A_42 = arith.constant 0 : index
    %swap3A_43 = vector.load %arg7[%swap3A, %swap3A_42] : memref<64x6xf32, #tpu.memory_space<vmem>>, vector<64x6xf32>
    tpu.vector_store %arg7[%swap3A, %swap3A_42], %max3A_41 {strides = array<i32>} : memref<64x6xf32, #tpu.memory_space<vmem>>, vector<64x6xf32>,
    return
  }
}

</mosaic_0001>

<sc_bundles>
// kernel: kernel.10.cloned.1.call-start
scs
__scs_entry_jumppad:
0x0: {  	(pc) =	sbr.rel $0x88, $3  }
0x1: {  	(tag) =	ssettag $0x0;
	lr =	simm.s32 $0x1  }
0x2: {  	[smem:$0x3F97] =	sst lr;
	_ =	strace $0xD0000000  }
0x3: {  	_ = 	snop  }
0x4: {  	_ = 	snop  }
0x5: {  	_ = 	snop  }
0x6: {  	_ = 	snop  }
0x7: {  	_ = 	snop  }
__scs_overlays_trampoline_lowered:
0x8: {  	[smem:$0x3FA6] =	sst s0  }
0x9: {  	[smem:$0x3FA7] =	sst s1  }
0xa: {  	[smem:$0x3FA8] =	sst s2  }
0xb: {  	[smem:$0x3FA9] =	sst s3  }
0xc: {  	[smem:$0x3FAA] =	sst s4  }
0xd: {  	[smem:$0x3FAB] =	sst s5  }
0xe: {  	[smem:$0x3FAC] =	sst s6  }
0xf: {  	[smem:$0x3FAD] =	sst s7  }
0x10: {  	[smem:$0x3FAE] =	sst s8  }
0x11: {  	[smem:$0x3FAF] =	sst s9;
	s0 =	simm.s32 @!p0 $0x0  }
0x12: {  	s1 =	sld [smem:$0x3F95];
	s0 =	simm.s32 @p0 $0x1  }
0x13: {  	[smem:$0x3FB0] =	sst s0;
	s0 =	simm.s32 @!p1 $0x0  }
0x14: {  	s2 =	sld [smem:$0x3F94];
	s0 =	simm.s32 @p1 $0x1  }
0x15: {  	[smem:$0x3FB1] =	sst s0;
	s0 =	simm.s32 @!p2 $0x0  }
0x16: {  	s3 =	sld [smem:$0x3FDB];
	s0 =	simm.s32 @p2 $0x1  }
0x17: {  	s4 =	simm.s32 $0x1BF5;
	[smem:$0x3FB3] =	sst s0  }
0x18: {  	s0 =	sld [smem:$0x3F96];
	_ =	swait.ge [sflag:s4], $0x0  }
0x19: {  	s7 =	sld [smem:$0x3F97]  }
0x1a: {  	s8 =	sadd.s32 $0xFFFFE003, lr  }
0x1b: {  	s9 =	sadd.s32 $0xFFFFFEF7, lr;
	s5 =	simm.s32 $0xFFFFFFFF;
	p2 =	slt.u32 s8, $0xFFFFF086  }
0x1c: {  	p1 =	slt.u32 s9, $0xF7A;
	s5 =	simm.s32 @!p2 $0x0  }
0x1d: {  	s5 =	simm.s32 @p1 $0x1;
	p0 =	seq.s32 s7, s2  }
0x1e: {  	s7 =	smul.u32 @!p0 $0xF7A, s2;
	p2 =	seq.s32 @!p0 s5, $0x0  }
0x1f: {  	s9 =	smul.u32 $0xF7A, s1;
	s8 =	simm.s32 @!p0 $0x1BF5;
	p2 =	por !p2, p0  }
0x20: {  	[sflag:s8] =	ssyncset.s32 @!p0 $0xFFFFF086;
	s6 =	sadd.s32 @!p0 s3, s7;
	s7 =	simm.s32 @!p0 $0x108  }
0x21: {  	s3 =	sadd.s32 s3, s9;
	s6 =	sadd.s32 @!p0 $0x88, s6;
	s7 =	simm.s32 @p2 $0x1082  }
0x22: {  	[simem:s7], [sflag:s8] =	dma.local @!p0 [hbm:s6], $0xF7A  }
0x23: {  	s9 =	sor.u32 $0xD0000000, s2;
	s6 =	simm.s32 $0x108;
	_ =	swait.ge @!p0 [sflag:s8], $0x0  }
0x24: {  	s3 =	sadd.s32 $0x88, s3;
	s6 =	simm.s32 @!p1 $0x1082;
	[sflag:s4] =	ssyncset.s32 $0xFFFFF086  }
0x25: {  	[simem:s6], [sflag:s4] =	dma.local [hbm:s3], $0xF7A  }
0x26: {  	[smem:$0x3F97] =	sst s1;
	(tag) =	ssettag s2;
	_ =	strace s9  }
0x27: {  	s1 =	sld [smem:$0x3FA7]  }
0x28: {  	s2 =	sld [smem:$0x3FA8]  }
0x29: {  	s4 =	sld [smem:$0x3FAA]  }
0x2a: {  	p0 =	seq.s32 s5, $0x0;
	s5 =	sld [smem:$0x3FAB]  }
0x2b: {  	s6 =	sld [smem:$0x3FAC]  }
0x2c: {  	s7 =	sld [smem:$0x3FAD]  }
0x2d: {  	s3 =	simm.s32 $0x108;
	s8 =	sld [smem:$0x3FAE]  }
0x2e: {  	s3 =	simm.s32 @!p0 $0x1082;
	s9 =	sld [smem:$0x3FAF]  }
0x2f: {  	lr =	sadd.s32 s0, s3;
	s0 =	sld [smem:$0x3FA6]  }
0x30: {  	s3 =	sld [smem:$0x3FA9]  }
0x31: {  	[smem:$0x3FB2] =	sst s10  }
0x32: {  	s10 =	sld [smem:$0x3FB0];
	_ =	sdelay $0x3  }
0x33: {  	p0 =	seq.s32 s10, $0x1;
	s10 =	sld [smem:$0x3FB2];
	_ =	sdelay $0x3  }
0x34: {  	[smem:$0x3FB2] =	sst s10  }
0x35: {  	s10 =	sld [smem:$0x3FB1];
	_ =	sdelay $0x3  }
0x36: {  	p1 =	seq.s32 s10, $0x1;
	s10 =	sld [smem:$0x3FB2];
	_ =	sdelay $0x3  }
0x37: {  	[smem:$0x3FB2] =	sst s10  }
0x38: {  	s10 =	sld [smem:$0x3FB3]  }
0x39: {  	_ = 	snop;
	(pc) =	sbr.ind lr, $3  }
0x3a: {  	_ = 	snop  }
0x3b: {  	_ = 	snop  }
0x3c: {  	p2 =	seq.s32 s10, $0x1;
	s10 =	sld [smem:$0x3FB2]  }
0x3d: {  	_ =	shalt  }
0x3e: {  	_ =	shalt  }
0x3f: {  	_ =	shalt  }
0x40: {  	_ =	shalt  }
0x41: {  	_ =	shalt  }
0x42: {  	_ =	shalt  }
0x43: {  	_ =	shalt  }
0x44: {  	_ =	shalt  }
0x45: {  	_ =	shalt  }
0x46: {  	_ =	shalt  }
0x47: {  	_ =	shalt  }
0x48: {  	_ =	shalt  }
0x49: {  	_ =	shalt  }
0x4a: {  	_ =	shalt  }
0x4b: {  	_ =	shalt  }
0x4c: {  	_ =	shalt  }
0x4d: {  	_ =	shalt  }
0x4e: {  	_ =	shalt  }
0x4f: {  	_ =	shalt  }
0x50: {  	_ =	shalt  }
0x51: {  	_ =	shalt  }
0x52: {  	_ =	shalt  }
0x53: {  	_ =	shalt  }
0x54: {  	_ =	shalt  }
0x55: {  	_ =	shalt  }
0x56: {  	_ =	shalt  }
0x57: {  	_ =	shalt  }
0x58: {  	_ =	shalt  }
0x59: {  	_ =	shalt  }
0x5a: {  	_ =	shalt  }
0x5b: {  	_ =	shalt  }
0x5c: {  	_ =	shalt  }
0x5d: {  	_ =	shalt  }
0x5e: {  	_ =	shalt  }
0x5f: {  	_ =	shalt  }
0x60: {  	_ =	shalt  }
0x61: {  	_ =	shalt  }
0x62: {  	_ =	shalt  }
0x63: {  	_ =	shalt  }
0x64: {  	_ =	shalt  }
0x65: {  	_ =	shalt  }
0x66: {  	_ =	shalt  }
0x67: {  	_ =	shalt  }
0x68: {  	_ =	shalt  }
0x69: {  	_ =	shalt  }
0x6a: {  	_ =	shalt  }
0x6b: {  	_ =	shalt  }
0x6c: {  	_ =	shalt  }
0x6d: {  	_ =	shalt  }
0x6e: {  	_ =	shalt  }
0x6f: {  	_ =	shalt  }
0x70: {  	_ =	shalt  }
0x71: {  	_ =	shalt  }
0x72: {  	_ =	shalt  }
0x73: {  	_ =	shalt  }
0x74: {  	_ =	shalt  }
0x75: {  	_ =	shalt  }
0x76: {  	_ =	shalt  }
0x77: {  	_ =	shalt  }
0x78: {  	_ =	shalt  }
0x79: {  	_ =	shalt  }
0x7a: {  	_ =	shalt  }
0x7b: {  	_ =	shalt  }
0x7c: {  	_ =	shalt  }
0x7d: {  	_ =	shalt  }
0x7e: {  	_ =	shalt  }
0x7f: {  	_ =	shalt  }
0x80: {  	_ =	shalt  }
0x81: {  	_ =	shalt  }
0x82: {  	_ =	shalt  }
0x83: {  	_ =	shalt  }
0x84: {  	_ =	shalt  }
0x85: {  	_ =	shalt  }
0x86: {  	_ =	shalt  }
0x87: {  	_ =	shalt  }
.Lfunc_end0:
.L_simem_size_0:
called_computation_lowered:
.L_overlay_start_0:
0x88: {  	s2 =	sld [smem:$0x3FD9]  }
0x89: {  	s3 =	sld [smem:$0x3FFE];
	_ =	sdelay $0x1  }
0x8a: {  	s1 =	srdreg.scid  }
0x8b: {  	s0 =	sand.u32 $0x1, s1  }
0x8c: {  	s17 =	sshll.u32 s0, $0xA;
	s2 =	sadd.s32 s3, s2  }
0x8d: {  	s2 =	sadd.s32 s2, s17  }
0x8e: {  	[smem:$0x3FBE] =	sst s2  }
0x8f: {  	_ = 	snop  }
0x90: {  	(tm) =	ssettm $0x1  }
0x91: {  	s18 =	sld [smem:$0x3FFB];
	_ =	sdelay $0x3  }
0x92: {  	_ =	strace s18  }
0x93: {  	s2 =	sld [smem:$0x3FFC];
	_ =	sdelay $0x3  }
0x94: {  	_ =	strace s2  }
0x95: {  	s2 =	sld [smem:$0x3FFD];
	_ =	sdelay $0x3  }
0x96: {  	_ =	strace s2  }
0x97: {  	_ =	strace $0x8FFFFFFF  }
0x98: {  	s19 =	sld [smem:$0x3FDB];
	_ =	sdelay $0x1  }
0x99: {  	s20 =	simm.s32 $_scs_section_size  }
0x9a: {  	s4 =	simm.s32 $_size__tile_overlayer_lowered;
	s5 =	simm.s32 $_tile_overlayer_lowered  }
0x9b: {  	s6 =	simm.s32 $0x1BFF;
	s21 =	sshll.u32 s5, $0x1;
	s3 =	sadd.s32 s20, s19  }
0x9c: {  	s22 =	simm.s32 $0x0;
	s4 =	sshll.u32 s4, $0x1;
	s5 =	sadd.s32 s21, s3  }
0x9d: {  	[timem:s22], [sflag:s6] =	dma.local [hbm:s5], s4  }
0x9e: {  	_ =	swait.ge [sflag:s6], s4  }
0x9f: {  	s4 =	ssub.s32 $0x0, s4;
	[sflag:s6] =	ssyncset.done $0x0  }
0xa0: {  	[sflag:s6] =	ssyncadd.s32 s4;
	_ =	sdelay $0x1  }
0xa1: {  	s23 =	simm.s32 $0x1B8B  }
0xa2: {  	_ =	swait.ge [sflag:s23], $0x1  }
0xa3: {  	[sflag:s23] =	ssyncset.done $0x0  }
0xa4: {  	[sflag:s23] =	ssyncadd.s32 $0xFFFFFFFF  }
0xa5: {  	s4 =	sld [smem:$0x0]  }
0xa6: {  	s5 =	sand.u32 $0xFFFFFFFE, s1  }
0xa7: {  	p0 =	sne.s32 s1, s5  }
0xa8: {  	s5 =	sshll.u32 @p0 s5, $0xE  }
0xa9: {  	s5 =	sadd.s32 @p0 $0x11B8D, s5;
	s6 =	sshll.u32 @p0 s4, $0x11  }
0xaa: {  	s5 =	sor.u32 @p0 s6, s5  }
0xab: {  	[sflag:s5] =	ssyncadd.remote.s32 @p0 $0x1;
	_ =	sdelay $0x1  }
0xac: {  	s5 =	simm.s32 @p0 $0x1B8D  }
0xad: {  	_ =	swait.eq @p0 [sflag:s5], $0x1  }
0xae: {  	[sflag:s5] =	ssyncadd.s32 @p0 $0xFFFFFFFF  }
0xaf: {  	s6 =	sshll.u32 @!p0 s1, $0xE  }
0xb0: {  	s6 =	sor.u32 @!p0 $0x4000, s6;
	s5 =	simm.s32 @!p0 $0x1B8D  }
0xb1: {  	s4 =	sshll.u32 @!p0 s4, $0x11;
	s6 =	sadd.s32 @!p0 $0x11B8D, s6;
	_ =	swait.eq @!p0 [sflag:s5], $0x1  }
0xb2: {  	s4 =	sor.u32 @!p0 s4, s6;
	[sflag:s5] =	ssyncadd.s32 @!p0 $0xFFFFFFFF  }
0xb3: {  	s25 =	simm.s32 $0x1B8E;
	s24 =	sld [smem:$0x3FFE];
	[sflag:s4] =	ssyncadd.remote.s32 @!p0 $0x1  }
0xb4: {  	s26 =	simm.s32 $execute0_lowered;
	[smem:$0x3FD2] =	sst s25  }
0xb5: {  	s5 =	sshll.u32 s26, $0x1;
	_ =	strace $0x80000049;
	[dreg:$0x1] =	wrdreg $0xFFFFFFFF  }
0xb6: {  	s28 =	simm.s32 $_size_execute0_lowered;
	s3 =	sadd.s32 s3, s5;
	[dreg:$0x0] =	wrdreg $0x0  }
0xb7: {  	s5 =	sshll.u32 s28, $0x1;
	[dreg:$0x2] =	wrdreg s3  }
0xb8: {  	[dreg:$0x3] =	wrdreg s5  }
0xb9: {  	[dreg:$0x4] =	wrdreg $0xC0  }
0xba: {  	_ =	task [dreg:s22], $0x5FFFF  }
0xbb: {  	[dreg:$0x1] =	wrdreg $0xFFFFFFFF  }
0xbc: {  	[dreg:$0x0] =	wrdreg $0x60  }
0xbd: {  	[dreg:$0x2] =	wrdreg s24  }
0xbe: {  	[dreg:$0x3] =	wrdreg $0x9  }
0xbf: {  	_ =	task.clear_ibuf [dreg:s22], $0x4FFFF;
	_ =	strace $0x90000049  }
0xc0: {  	s29 =	simm.s32 $0x9;
	_ =	strace $0x8000004B  }
0xc1: {  	_ =	swait.ge [sflag:s29], $0x1  }
0xc2: {  	[sflag:s29] =	ssyncadd.s32 $0xFFFFFFFF  }
0xc3: {  	_ =	strace $0x9000004B  }
0xc4: {  	_ =	sfence  }
0xc5: {  	s30 =	sld [smem:$0x0];
	_ =	sdelay $0x2  }
0xc6: {  	s31 =	sshll.u32 s1, $0xD;
	s1 =	sshrl.u32 s1, $0x2  }
0xc7: {  	s4 =	sand.u32 $0x4000, s31;
	s1 =	sadd.s32 s1, s30  }
0xc8: {  	s0 =	sor.u32 s4, s0;
	s1 =	sshll.u32 s1, $0x11  }
0xc9: {  	s0 =	sor.u32 s1, s0  }
0xca: {  	s0 =	sadd.s32 $0x8F2B, s0  }
0xcb: {  	[sflag:s0] =	ssyncadd.remote.s32 $0x1  }
0xcc: {  	_ =	sfence.sel $0xFFFF  }
0xcd: {  	[dreg:$0x0] =	wrdreg $0xFFFFFFFF;
	(pc) =	sbr.abs _section_cstart, $3  }
0xce: {  	[dreg:$0x1] =	wrdreg $0xFFFFFFFF  }
0xcf: {  	_ =	task.clear_ibuf [dreg:s22], $0x2FFFF;
	_ =	strace $0x9FFFFFFF  }
0xd0: {  	(tm) =	ssettm $0x7FFFFFFF  }
0xd1: {  	_ =	shalt  }
tec
execute0_lowered:
.L_overlay_start_1:
0x0: {  	(tag) =	ssettag $0x1  }
0x1: {  	s1 =	srdreg.scid;
	s0 =	stileid.u32  }
0x2: {  	s15 =	sand.u32 $0x1, s1;
	s28 =	sshll.u32 s0, $0x1  }
0x3: {  	s9 =	sor.u32 s15, s28  }
0x4: {  	s10 =	rddreg [dreg:$0x0];
	s14 =	smul.u32 $0x140, s9  }
0x5: {  	s2 =	simm.s32 $0x0;
	s1 =	rddreg [dreg:$0x1]  }
0x6: {  	[smem:$0x7FF] =	sst s2;
	s16 =	sadd.s32 $0x4A5A00, s10;
	s3 =	sshrl.u32 s14, $0x3  }
0x7: {  	_ =	strace $0x8000004A;
	s4 =	sadd.s32 s16, s3;
	s3 =	simm.s32 $0x2  }
0x8: {  	[tilespmem:s2], [sflag:$0x2] =	stream.linear.gather [hbm4b:s4+s2], $0x50, $0x38;
	[tilespmem:$0x2880] =	vst v63  }
0x9: {  	_ =	swait.ge [sflag:s3], $0x50  }
0xa: {  	s6 =	simm.s32 $0x50;
	s7 =	simm.s32 $0x80;
	[sflag:s3] =	ssyncset.done $0x0  }
0xb: {  	s8 =	simm.s32 $0x1;
	s5 =	sadd.s32 $0x4A6000, s10;
	[sflag:s3] =	ssyncadd.s32 $0xFFFFFFB0  }
0xc: {  	[tilespmem:s7], [sflag:$0x1] =	stream.indirect.gather [hbm4b:s5+s6], $0x80, s2, s6, $0xb8;
	[tilespmem:$0x2880] =	vst v63  }
0xd: {  	s9 =	smul.u32 $0x1400, s9;
	_ =	swait.ge [sflag:s8], $0x2800  }
0xe: {  	s17 =	sadd.s32 $0x11C00, s10;
	[sflag:s8] =	ssyncset.done $0x0  }
0xf: {  	s9 =	sadd.s32 s17, s9;
	[sflag:s8] =	ssyncadd.s32 $0xFFFFD800  }
0x10: {  	[hbm4b:s9+s2] =	stream.linear.scatter [tilespmem:s7], [sflag:$0x2], $0x2800, $0x38;
	[tilespmem:$0x2880] =	vst v63  }
0x11: {  	s11 =	sadd.s32 $0x50, s14;
	_ =	swait.ge [sflag:s3], $0x2800  }
0x12: {  	s29 =	sshrl.u32 s11, $0x3;
	[sflag:s3] =	ssyncset.done $0x0  }
0x13: {  	s10 =	sadd.s32 s16, s29;
	[sflag:s3] =	ssyncadd.s32 $0xFFFFD800  }
0x14: {  	[tilespmem:s2], [sflag:$0x2] =	stream.linear.gather [hbm4b:s10+s2], $0x50, $0x38;
	[tilespmem:$0x2880] =	vst v63  }
0x15: {  	_ =	swait.ge [sflag:s3], $0x50  }
0x16: {  	[sflag:s3] =	ssyncset.done $0x0  }
0x17: {  	[sflag:s3] =	ssyncadd.s32 $0xFFFFFFB0  }
0x18: {  	[tilespmem:s7], [sflag:$0x1] =	stream.indirect.gather [hbm4b:s5+s6], $0x80, s2, s6, $0xb8;
	[tilespmem:$0x2880] =	vst v63  }
0x19: {  	_ =	swait.ge [sflag:s8], $0x2800  }
0x1a: {  	s11 =	sshll.u32 s11, $0x4;
	[sflag:s8] =	ssyncset.done $0x0  }
0x1b: {  	s11 =	sadd.s32 s17, s11;
	[sflag:s8] =	ssyncadd.s32 $0xFFFFD800  }
0x1c: {  	[hbm4b:s11+s2] =	stream.linear.scatter [tilespmem:s7], [sflag:$0x2], $0x2800, $0x38;
	[tilespmem:$0x2880] =	vst v63  }
0x1d: {  	s13 =	sadd.s32 $0xA0, s14;
	_ =	swait.ge [sflag:s3], $0x2800  }
0x1e: {  	s12 =	sshrl.u32 s13, $0x3;
	[sflag:s3] =	ssyncset.done $0x0  }
0x1f: {  	s12 =	sadd.s32 s16, s12;
	[sflag:s3] =	ssyncadd.s32 $0xFFFFD800  }
0x20: {  	[tilespmem:s2], [sflag:$0x2] =	stream.linear.gather [hbm4b:s12+s2], $0x50, $0x38;
	[tilespmem:$0x2880] =	vst v63  }
0x21: {  	_ =	swait.ge [sflag:s3], $0x50  }
0x22: {  	[sflag:s3] =	ssyncset.done $0x0  }
0x23: {  	[sflag:s3] =	ssyncadd.s32 $0xFFFFFFB0  }
0x24: {  	[tilespmem:s7], [sflag:$0x1] =	stream.indirect.gather [hbm4b:s5+s6], $0x80, s2, s6, $0xb8;
	[tilespmem:$0x2880] =	vst v63  }
0x25: {  	_ =	swait.ge [sflag:s8], $0x2800  }
0x26: {  	s13 =	sshll.u32 s13, $0x4;
	[sflag:s8] =	ssyncset.done $0x0  }
0x27: {  	s13 =	sadd.s32 s17, s13;
	[sflag:s8] =	ssyncadd.s32 $0xFFFFD800  }
0x28: {  	[hbm4b:s13+s2] =	stream.linear.scatter [tilespmem:s7], [sflag:$0x2], $0x2800, $0x38;
	[tilespmem:$0x2880] =	vst v63  }
0x29: {  	s18 =	sadd.s32 $0xF0, s14;
	_ =	swait.ge [sflag:s3], $0x2800  }
0x2a: {  	s14 =	sshrl.u32 s18, $0x3;
	[sflag:s3] =	ssyncset.done $0x0  }
0x2b: {  	s15 =	ssub.s32 $0x2, s15;
	s14 =	sadd.s32 s16, s14;
	[sflag:s3] =	ssyncadd.s32 $0xFFFFD800  }
0x2c: {  	[tilespmem:s2], [sflag:$0x2] =	stream.linear.gather [hbm4b:s14+s2], $0x50, $0x38;
	[tilespmem:$0x2880] =	vst v63  }
0x2d: {  	s30 =	sshrl.u32 s15, $0x1;
	_ =	swait.ge [sflag:s3], $0x50  }
0x2e: {  	s16 =	ssub.s32 s15, s30;
	[sflag:s3] =	ssyncset.done $0x0  }
0x2f: {  	s16 =	smax.u32 s16, $0x1;
	[sflag:s3] =	ssyncadd.s32 $0xFFFFFFB0  }
0x30: {  	[tilespmem:s7], [sflag:$0x1] =	stream.indirect.gather [hbm4b:s5+s6], $0x80, s2, s6, $0xb8;
	[tilespmem:$0x2880] =	vst v63  }
0x31: {  	p0 =	sne.s32 s16, $0x1;
	_ =	swait.ge [sflag:s8], $0x2800  }
.Ltmp0:
0x32: {  	s31 =	sshll.u32 s18, $0x4;
	[sflag:s8] =	ssyncset.done $0x0;
	(pc) =	sbr.rel @!p0 .LBB2_2-.Ltmp0, $4  }
0x33: {  	s15 =	sadd.s32 s17, s31;
	[sflag:s8] =	ssyncadd.s32 $0xFFFFD800  }
0x34: {  	[hbm4b:s15+s2] =	stream.linear.scatter [tilespmem:s7], [sflag:$0x2], $0x2800, $0x38;
	[tilespmem:$0x2880] =	vst v63  }
0x35: {  	_ =	swait.ge [sflag:s3], $0x2800  }
0x36: {  	s16 =	sadd.s32 $0xFFFFFFFF, s16;
	[sflag:s3] =	ssyncset.done $0x0  }
.LBB2_1:
0x37: {  	p0 =	sne.s32 s16, $0x1;
	s16 =	sadd.s32 $0xFFFFFFFF, s16;
	[sflag:s3] =	ssyncadd.s32 $0xFFFFD800  }
0x38: {  	[tilespmem:s2], [sflag:$0x2] =	stream.linear.gather [hbm4b:s4+s2], $0x50, $0x38;
	[tilespmem:$0x2880] =	vst v63  }
0x39: {  	_ =	swait.ge [sflag:s3], $0x50  }
0x3a: {  	[sflag:s3] =	ssyncset.done $0x0  }
0x3b: {  	[sflag:s3] =	ssyncadd.s32 $0xFFFFFFB0  }
0x3c: {  	[tilespmem:s7], [sflag:$0x1] =	stream.indirect.gather [hbm4b:s5+s6], $0x80, s2, s6, $0xb8;
	[tilespmem:$0x2880] =	vst v63  }
0x3d: {  	_ =	swait.ge [sflag:s8], $0x2800  }
0x3e: {  	[sflag:s8] =	ssyncset.done $0x0  }
0x3f: {  	[sflag:s8] =	ssyncadd.s32 $0xFFFFD800  }
0x40: {  	[hbm4b:s9+s2] =	stream.linear.scatter [tilespmem:s7], [sflag:$0x2], $0x2800, $0x38;
	[tilespmem:$0x2880] =	vst v63  }
0x41: {  	_ =	swait.ge [sflag:s3], $0x2800  }
0x42: {  	[sflag:s3] =	ssyncset.done $0x0  }
0x43: {  	[sflag:s3] =	ssyncadd.s32 $0xFFFFD800  }
0x44: {  	[tilespmem:s2], [sflag:$0x2] =	stream.linear.gather [hbm4b:s10+s2], $0x50, $0x38;
	[tilespmem:$0x2880] =	vst v63  }
0x45: {  	_ =	swait.ge [sflag:s3], $0x50  }
0x46: {  	[sflag:s3] =	ssyncset.done $0x0  }
0x47: {  	[sflag:s3] =	ssyncadd.s32 $0xFFFFFFB0  }
0x48: {  	[tilespmem:s7], [sflag:$0x1] =	stream.indirect.gather [hbm4b:s5+s6], $0x80, s2, s6, $0xb8;
	[tilespmem:$0x2880] =	vst v63  }
0x49: {  	_ =	swait.ge [sflag:s8], $0x2800  }
0x4a: {  	[sflag:s8] =	ssyncset.done $0x0  }
0x4b: {  	[sflag:s8] =	ssyncadd.s32 $0xFFFFD800  }
0x4c: {  	[hbm4b:s11+s2] =	stream.linear.scatter [tilespmem:s7], [sflag:$0x2], $0x2800, $0x38;
	[tilespmem:$0x2880] =	vst v63  }
0x4d: {  	_ =	swait.ge [sflag:s3], $0x2800  }
0x4e: {  	[sflag:s3] =	ssyncset.done $0x0  }
0x4f: {  	[sflag:s3] =	ssyncadd.s32 $0xFFFFD800  }
0x50: {  	[tilespmem:s2], [sflag:$0x2] =	stream.linear.gather [hbm4b:s12+s2], $0x50, $0x38;
	[tilespmem:$0x2880] =	vst v63  }
0x51: {  	_ =	swait.ge [sflag:s3], $0x50  }
0x52: {  	[sflag:s3] =	ssyncset.done $0x0  }
0x53: {  	[sflag:s3] =	ssyncadd.s32 $0xFFFFFFB0  }
0x54: {  	[tilespmem:s7], [sflag:$0x1] =	stream.indirect.gather [hbm4b:s5+s6], $0x80, s2, s6, $0xb8;
	[tilespmem:$0x2880] =	vst v63  }
0x55: {  	_ =	swait.ge [sflag:s8], $0x2800  }
0x56: {  	[sflag:s8] =	ssyncset.done $0x0  }
0x57: {  	[sflag:s8] =	ssyncadd.s32 $0xFFFFD800  }
0x58: {  	[hbm4b:s13+s2] =	stream.linear.scatter [tilespmem:s7], [sflag:$0x2], $0x2800, $0x38;
	[tilespmem:$0x2880] =	vst v63  }
0x59: {  	_ =	swait.ge [sflag:s3], $0x2800  }
0x5a: {  	[sflag:s3] =	ssyncset.done $0x0  }
0x5b: {  	[sflag:s3] =	ssyncadd.s32 $0xFFFFD800  }
0x5c: {  	[tilespmem:s2], [sflag:$0x2] =	stream.linear.gather [hbm4b:s14+s2], $0x50, $0x38;
	[tilespmem:$0x2880] =	vst v63  }
0x5d: {  	_ =	swait.ge [sflag:s3], $0x50  }
0x5e: {  	[sflag:s3] =	ssyncset.done $0x0  }
0x5f: {  	[sflag:s3] =	ssyncadd.s32 $0xFFFFFFB0  }
0x60: {  	[tilespmem:s7], [sflag:$0x1] =	stream.indirect.gather [hbm4b:s5+s6], $0x80, s2, s6, $0xb8;
	[tilespmem:$0x2880] =	vst v63  }
0x61: {  	_ =	swait.ge [sflag:s8], $0x2800  }
.Ltmp1:
0x62: {  	[sflag:s8] =	ssyncset.done $0x0;
	(pc) =	sbr.rel @p0 .LBB2_1-.Ltmp1, $4  }
0x63: {  	[sflag:s8] =	ssyncadd.s32 $0xFFFFD800  }
0x64: {  	[hbm4b:s15+s2] =	stream.linear.scatter [tilespmem:s7], [sflag:$0x2], $0x2800, $0x38;
	[tilespmem:$0x2880] =	vst v63  }
0x65: {  	_ =	swait.ge [sflag:s3], $0x2800  }
0x66: {  	[sflag:s3] =	ssyncset.done $0x0  }
.LBB2_2:
0x67: {  	[sflag:s3] =	ssyncadd.s32 $0xFFFFD800  }
0x68: {  	_ =	sfence.sel $0x180000  }
0x69: {  	[bflag:$0x0] =	sbarrier.arrive $0xFFFF  }
0x6a: {  	p0 =	sne.s32 s0, $0x0;
	_ =	strace $0x9000004A  }
0x6b: {  	s0 =	sadd.s32 @!p0 $0x100000, s1;
	[bflag:$0x2] =	sbarrier.arrive $0xFFFF  }
0x6c: {  	[sflag:s0] =	ssyncadd.tile.s32 @!p0 $0x1;
	_ =	shalt  }
.Lfunc_end2:
_tile_overlayer_lowered:
.L_overlay_start_2:
0x6d: {  	(tag) =	ssettag $0x2  }
0x6e: {  	s0 =	rddreg [dreg:$0x0];
	s2 =	stileid.u32  }
0x6f: {  	s1 =	rddreg [dreg:$0x1];
	p0 =	sne.s32 s2, $0x0  }
0x70: {  	s3 =	rddreg [dreg:$0x2];
	[bflag:$0x3] =	sbarrier.arrive $0xFFFF;
	s2 =	simm.s32 @!p0 $0x1C02  }
0x71: {  	[timem:s3], [sflag:s2] =	dma.local @!p0 [hbm:s0], s1  }
0x72: {  	s0 =	simm.s32 @!p0 $0x2  }
0x73: {  	_ =	swait.ge @!p0 [sflag:s0], s1  }
0x74: {  	s1 =	ssub.s32 @!p0 $0x0, s1;
	[sflag:s0] =	ssyncset.done @!p0 $0x0  }
0x75: {  	[sflag:s0] =	ssyncadd.s32 @!p0 s1  }
0x76: {  	[bflag:$0x3] =	sbarrier.arrive $0xFFFF  }
0x77: {  	_ =	shalt  }

// kernel: kernel.13.cloned.1.call-start
scs
__scs_entry_jumppad:
0x0: {  	(pc) =	sbr.rel $0x88, $3  }
0x1: {  	(tag) =	ssettag $0x0;
	lr =	simm.s32 $0x1  }
0x2: {  	[smem:$0x3F97] =	sst lr;
	_ =	strace $0xD0000000  }
0x3: {  	_ = 	snop  }
0x4: {  	_ = 	snop  }
0x5: {  	_ = 	snop  }
0x6: {  	_ = 	snop  }
0x7: {  	_ = 	snop  }
__scs_overlays_trampoline_lowered:
0x8: {  	[smem:$0x3FA6] =	sst s0  }
0x9: {  	[smem:$0x3FA7] =	sst s1  }
0xa: {  	[smem:$0x3FA8] =	sst s2  }
0xb: {  	[smem:$0x3FA9] =	sst s3  }
0xc: {  	[smem:$0x3FAA] =	sst s4  }
0xd: {  	[smem:$0x3FAB] =	sst s5  }
0xe: {  	[smem:$0x3FAC] =	sst s6  }
0xf: {  	[smem:$0x3FAD] =	sst s7  }
0x10: {  	[smem:$0x3FAE] =	sst s8  }
0x11: {  	[smem:$0x3FAF] =	sst s9;
	s0 =	simm.s32 @!p0 $0x0  }
0x12: {  	s1 =	sld [smem:$0x3F95];
	s0 =	simm.s32 @p0 $0x1  }
0x13: {  	[smem:$0x3FB0] =	sst s0;
	s0 =	simm.s32 @!p1 $0x0  }
0x14: {  	s2 =	sld [smem:$0x3F94];
	s0 =	simm.s32 @p1 $0x1  }
0x15: {  	[smem:$0x3FB1] =	sst s0;
	s0 =	simm.s32 @!p2 $0x0  }
0x16: {  	s3 =	sld [smem:$0x3FDB];
	s0 =	simm.s32 @p2 $0x1  }
0x17: {  	s4 =	simm.s32 $0x1BF5;
	[smem:$0x3FB3] =	sst s0  }
0x18: {  	s0 =	sld [smem:$0x3F96];
	_ =	swait.ge [sflag:s4], $0x0  }
0x19: {  	s7 =	sld [smem:$0x3F97]  }
0x1a: {  	s8 =	sadd.s32 $0xFFFFE003, lr  }
0x1b: {  	s9 =	sadd.s32 $0xFFFFFEF7, lr;
	s5 =	simm.s32 $0xFFFFFFFF;
	p2 =	slt.u32 s8, $0xFFFFF086  }
0x1c: {  	p1 =	slt.u32 s9, $0xF7A;
	s5 =	simm.s32 @!p2 $0x0  }
0x1d: {  	s5 =	simm.s32 @p1 $0x1;
	p0 =	seq.s32 s7, s2  }
0x1e: {  	s7 =	smul.u32 @!p0 $0xF7A, s2;
	p2 =	seq.s32 @!p0 s5, $0x0  }
0x1f: {  	s9 =	smul.u32 $0xF7A, s1;
	s8 =	simm.s32 @!p0 $0x1BF5;
	p2 =	por !p2, p0  }
0x20: {  	[sflag:s8] =	ssyncset.s32 @!p0 $0xFFFFF086;
	s6 =	sadd.s32 @!p0 s3, s7;
	s7 =	simm.s32 @!p0 $0x108  }
0x21: {  	s3 =	sadd.s32 s3, s9;
	s6 =	sadd.s32 @!p0 $0x88, s6;
	s7 =	simm.s32 @p2 $0x1082  }
0x22: {  	[simem:s7], [sflag:s8] =	dma.local @!p0 [hbm:s6], $0xF7A  }
0x23: {  	s9 =	sor.u32 $0xD0000000, s2;
	s6 =	simm.s32 $0x108;
	_ =	swait.ge @!p0 [sflag:s8], $0x0  }
0x24: {  	s3 =	sadd.s32 $0x88, s3;
	s6 =	simm.s32 @!p1 $0x1082;
	[sflag:s4] =	ssyncset.s32 $0xFFFFF086  }
0x25: {  	[simem:s6], [sflag:s4] =	dma.local [hbm:s3], $0xF7A  }
0x26: {  	[smem:$0x3F97] =	sst s1;
	(tag) =	ssettag s2;
	_ =	strace s9  }
0x27: {  	s1 =	sld [smem:$0x3FA7]  }
0x28: {  	s2 =	sld [smem:$0x3FA8]  }
0x29: {  	s4 =	sld [smem:$0x3FAA]  }
0x2a: {  	p0 =	seq.s32 s5, $0x0;
	s5 =	sld [smem:$0x3FAB]  }
0x2b: {  	s6 =	sld [smem:$0x3FAC]  }
0x2c: {  	s7 =	sld [smem:$0x3FAD]  }
0x2d: {  	s3 =	simm.s32 $0x108;
	s8 =	sld [smem:$0x3FAE]  }
0x2e: {  	s3 =	simm.s32 @!p0 $0x1082;
	s9 =	sld [smem:$0x3FAF]  }
0x2f: {  	lr =	sadd.s32 s0, s3;
	s0 =	sld [smem:$0x3FA6]  }
0x30: {  	s3 =	sld [smem:$0x3FA9]  }
0x31: {  	[smem:$0x3FB2] =	sst s10  }
0x32: {  	s10 =	sld [smem:$0x3FB0];
	_ =	sdelay $0x3  }
0x33: {  	p0 =	seq.s32 s10, $0x1;
	s10 =	sld [smem:$0x3FB2];
	_ =	sdelay $0x3  }
0x34: {  	[smem:$0x3FB2] =	sst s10  }
0x35: {  	s10 =	sld [smem:$0x3FB1];
	_ =	sdelay $0x3  }
0x36: {  	p1 =	seq.s32 s10, $0x1;
	s10 =	sld [smem:$0x3FB2];
	_ =	sdelay $0x3  }
0x37: {  	[smem:$0x3FB2] =	sst s10  }
0x38: {  	s10 =	sld [smem:$0x3FB3]  }
0x39: {  	_ = 	snop;
	(pc) =	sbr.ind lr, $3  }
0x3a: {  	_ = 	snop  }
0x3b: {  	_ = 	snop  }
0x3c: {  	p2 =	seq.s32 s10, $0x1;
	s10 =	sld [smem:$0x3FB2]  }
0x3d: {  	_ =	shalt  }
0x3e: {  	_ =	shalt  }
0x3f: {  	_ =	shalt  }
0x40: {  	_ =	shalt  }
0x41: {  	_ =	shalt  }
0x42: {  	_ =	shalt  }
0x43: {  	_ =	shalt  }
0x44: {  	_ =	shalt  }
0x45: {  	_ =	shalt  }
0x46: {  	_ =	shalt  }
0x47: {  	_ =	shalt  }
0x48: {  	_ =	shalt  }
0x49: {  	_ =	shalt  }
0x4a: {  	_ =	shalt  }
0x4b: {  	_ =	shalt  }
0x4c: {  	_ =	shalt  }
0x4d: {  	_ =	shalt  }
0x4e: {  	_ =	shalt  }
0x4f: {  	_ =	shalt  }
0x50: {  	_ =	shalt  }
0x51: {  	_ =	shalt  }
0x52: {  	_ =	shalt  }
0x53: {  	_ =	shalt  }
0x54: {  	_ =	shalt  }
0x55: {  	_ =	shalt  }
0x56: {  	_ =	shalt  }
0x57: {  	_ =	shalt  }
0x58: {  	_ =	shalt  }
0x59: {  	_ =	shalt  }
0x5a: {  	_ =	shalt  }
0x5b: {  	_ =	shalt  }
0x5c: {  	_ =	shalt  }
0x5d: {  	_ =	shalt  }
0x5e: {  	_ =	shalt  }
0x5f: {  	_ =	shalt  }
0x60: {  	_ =	shalt  }
0x61: {  	_ =	shalt  }
0x62: {  	_ =	shalt  }
0x63: {  	_ =	shalt  }
0x64: {  	_ =	shalt  }
0x65: {  	_ =	shalt  }
0x66: {  	_ =	shalt  }
0x67: {  	_ =	shalt  }
0x68: {  	_ =	shalt  }
0x69: {  	_ =	shalt  }
0x6a: {  	_ =	shalt  }
0x6b: {  	_ =	shalt  }
0x6c: {  	_ =	shalt  }
0x6d: {  	_ =	shalt  }
0x6e: {  	_ =	shalt  }
0x6f: {  	_ =	shalt  }
0x70: {  	_ =	shalt  }
0x71: {  	_ =	shalt  }
0x72: {  	_ =	shalt  }
0x73: {  	_ =	shalt  }
0x74: {  	_ =	shalt  }
0x75: {  	_ =	shalt  }
0x76: {  	_ =	shalt  }
0x77: {  	_ =	shalt  }
0x78: {  	_ =	shalt  }
0x79: {  	_ =	shalt  }
0x7a: {  	_ =	shalt  }
0x7b: {  	_ =	shalt  }
0x7c: {  	_ =	shalt  }
0x7d: {  	_ =	shalt  }
0x7e: {  	_ =	shalt  }
0x7f: {  	_ =	shalt  }
0x80: {  	_ =	shalt  }
0x81: {  	_ =	shalt  }
0x82: {  	_ =	shalt  }
0x83: {  	_ =	shalt  }
0x84: {  	_ =	shalt  }
0x85: {  	_ =	shalt  }
0x86: {  	_ =	shalt  }
0x87: {  	_ =	shalt  }
.Lfunc_end0:
.L_simem_size_0:
called_computation.1_lowered:
.L_overlay_start_0:
0x88: {  	s2 =	sld [smem:$0x3FD9]  }
0x89: {  	s3 =	sld [smem:$0x3FFE];
	_ =	sdelay $0x1  }
0x8a: {  	s1 =	srdreg.scid  }
0x8b: {  	s0 =	sand.u32 $0x1, s1  }
0x8c: {  	s16 =	sshll.u32 s0, $0xA;
	s2 =	sadd.s32 s3, s2  }
0x8d: {  	s2 =	sadd.s32 s2, s16  }
0x8e: {  	[smem:$0x3FBE] =	sst s2  }
0x8f: {  	_ = 	snop  }
0x90: {  	(tm) =	ssettm $0x1  }
0x91: {  	s17 =	sld [smem:$0x3FFB];
	_ =	sdelay $0x3  }
0x92: {  	_ =	strace s17  }
0x93: {  	s2 =	sld [smem:$0x3FFC];
	_ =	sdelay $0x3  }
0x94: {  	_ =	strace s2  }
0x95: {  	s2 =	sld [smem:$0x3FFD];
	_ =	sdelay $0x3  }
0x96: {  	_ =	strace s2  }
0x97: {  	_ =	strace $0x8FFFFFFF  }
0x98: {  	s18 =	sld [smem:$0x3FDB];
	_ =	sdelay $0x1  }
0x99: {  	s19 =	simm.s32 $_scs_section_size  }
0x9a: {  	s4 =	simm.s32 $_size__tile_overlayer_lowered;
	s5 =	simm.s32 $_tile_overlayer_lowered  }
0x9b: {  	s22 =	simm.s32 $0x1BFF;
	s21 =	sshll.u32 s5, $0x1;
	s2 =	sadd.s32 s19, s18  }
0x9c: {  	s6 =	simm.s32 $0x0;
	s20 =	sshll.u32 s4, $0x1;
	s4 =	sadd.s32 s21, s2  }
0x9d: {  	[timem:s6], [sflag:s22] =	dma.local [hbm:s4], s20  }
0x9e: {  	_ =	swait.ge [sflag:s22], s20  }
0x9f: {  	s3 =	ssub.s32 $0x0, s20;
	[sflag:s22] =	ssyncset.done $0x0  }
0xa0: {  	[sflag:s22] =	ssyncadd.s32 s3;
	_ =	sdelay $0x1  }
0xa1: {  	s23 =	simm.s32 $0x1B8B  }
0xa2: {  	_ =	swait.ge [sflag:s23], $0x1  }
0xa3: {  	[sflag:s23] =	ssyncset.done $0x0  }
0xa4: {  	s25 =	simm.s32 $0x1B8E;
	s24 =	sld [smem:$0x3FFE];
	[sflag:s23] =	ssyncadd.s32 $0xFFFFFFFF  }
0xa5: {  	s26 =	simm.s32 $execute0_lowered;
	[smem:$0x3FD2] =	sst s25  }
0xa6: {  	s4 =	sshll.u32 s26, $0x1;
	_ =	strace $0x80000046;
	[dreg:$0x1] =	wrdreg $0xFFFFFFFF  }
0xa7: {  	s28 =	simm.s32 $_size_execute0_lowered;
	s2 =	sadd.s32 s2, s4;
	[dreg:$0x0] =	wrdreg $0x0  }
0xa8: {  	s4 =	sshll.u32 s28, $0x1;
	[dreg:$0x2] =	wrdreg s2  }
0xa9: {  	[dreg:$0x3] =	wrdreg s4  }
0xaa: {  	[dreg:$0x4] =	wrdreg $0xC0  }
0xab: {  	_ =	task [dreg:s6], $0x5FFFF  }
0xac: {  	[dreg:$0x1] =	wrdreg $0xFFFFFFFF  }
0xad: {  	[dreg:$0x0] =	wrdreg $0x60  }
0xae: {  	[dreg:$0x2] =	wrdreg s24  }
0xaf: {  	[dreg:$0x3] =	wrdreg $0x3800  }
0xb0: {  	[dreg:$0x4] =	wrdreg $0xA  }
0xb1: {  	_ =	task.clear_ibuf [dreg:s6], $0x5FFFF;
	_ =	strace $0x90000046  }
0xb2: {  	s29 =	simm.s32 $0xA;
	_ =	strace $0x80000048  }
0xb3: {  	_ =	swait.ge [sflag:s29], $0x1  }
0xb4: {  	[sflag:s29] =	ssyncadd.s32 $0xFFFFFFFF  }
0xb5: {  	_ =	strace $0x90000048  }
0xb6: {  	_ =	sfence  }
0xb7: {  	s30 =	sld [smem:$0x0];
	_ =	sdelay $0x2  }
0xb8: {  	s31 =	sshll.u32 s1, $0xD;
	s1 =	sshrl.u32 s1, $0x2  }
0xb9: {  	s3 =	sand.u32 $0x4000, s31;
	s1 =	sadd.s32 s1, s30  }
0xba: {  	s0 =	sor.u32 s3, s0;
	s1 =	sshll.u32 s1, $0x11  }
0xbb: {  	s0 =	sor.u32 s1, s0  }
0xbc: {  	s0 =	sadd.s32 $0x8F2B, s0  }
0xbd: {  	[sflag:s0] =	ssyncadd.remote.s32 $0x1  }
0xbe: {  	_ =	sfence.sel $0xFFFF  }
0xbf: {  	[dreg:$0x0] =	wrdreg $0xFFFFFFFF;
	(pc) =	sbr.abs _section_cstart, $3  }
0xc0: {  	[dreg:$0x1] =	wrdreg $0xFFFFFFFF  }
0xc1: {  	_ =	task.clear_ibuf [dreg:s6], $0x2FFFF;
	_ =	strace $0x9FFFFFFF  }
0xc2: {  	(tm) =	ssettm $0x7FFFFFFF  }
0xc3: {  	_ =	shalt  }
tec
execute0_lowered:
.L_overlay_start_1:
0x0: {  	(tag) =	ssettag $0x1  }
0x1: {  	s0 =	srdreg.scid;
	s6 =	rddreg [dreg:$0x0]  }
0x2: {  	s2 =	rddreg [dreg:$0x1];
	s4 =	sand.u32 $0x1, s0  }
0x3: {  	s0 =	stileid.u32;
	s5 =	smul.u32 $0x14000, s4  }
0x4: {  	s1 =	rddreg [dreg:$0x2];
	s3 =	simm.s32 $0x0;
	s7 =	smul.u32 $0x1400, s0  }
0x5: {  	s10 =	simm.s32 $0x300;
	s13 =	simm.s32 $0x0;
	s8 =	smul.u32 $0x280, s0  }
0x6: {  	[smem:$0x7FF] =	sst s3;
	s9 =	smul.u32 $0x2800, s4;
	s4 =	ssub.s32 $0x2, s4  }
0x7: {  	_ =	strace $0x80000047;
	s11 =	sshll.u32 s0, $0x6;
	s31 =	sshrl.u32 s4, $0x1  }
0x8: {  	s11 =	sor.u32 $0x1C01, s11;
	s5 =	sadd.s32 s7, s5;
	s28 =	sadd.s32 s8, s9  }
0x9: {  	s9 =	simm.s32 $0x1;
	s5 =	sshrl.u32 s5, $0x3;
	s7 =	sshrl.u32 s28, $0x3  }
0xa: {  	s29 =	sadd.s32 s5, s6;
	s30 =	sadd.s32 s7, s6;
	s6 =	ssub.s32 s4, s31  }
0xb: {  	s4 =	sadd.s32 s8, s2;
	s8 =	simm.s32 $0x80;
	s5 =	sadd.s32 $0x11200, s30  }
0xc: {  	v0 =	vimm.f32 $1.000000000e+00;
	v1 =	vimm.f32 $0.0e+00;
	s6 =	smax.u32 s6, $0x1;
	s7 =	sadd.s32 $0x7200, s29;
	s12 =	sshrl.u32 s4, $0x3  }
.LBB2_1:
0xd: {  	[tilespmem:$0x0] =	vst v0  }
0xe: {  	[tilespmem:$0x10] =	vst v0  }
0xf: {  	[tilespmem:$0x20] =	vst v0  }
0x10: {  	[tilespmem:$0x30] =	vst v0  }
0x11: {  	[tilespmem:$0x40] =	vst v0  }
0x12: {  	[tilespmem:$0x50] =	vst v0  }
0x13: {  	[tilespmem:$0x60] =	vst v0  }
0x14: {  	[tilespmem:$0x70] =	vst v0  }
0x15: {  	[tilespmem:$0x80] =	vst v1  }
0x16: {  	[tilespmem:$0x90] =	vst v1  }
0x17: {  	[tilespmem:$0xA0] =	vst v1  }
0x18: {  	[tilespmem:$0xB0] =	vst v1  }
0x19: {  	[tilespmem:$0xC0] =	vst v1  }
0x1a: {  	[tilespmem:$0xD0] =	vst v1  }
0x1b: {  	[tilespmem:$0xE0] =	vst v1  }
0x1c: {  	[tilespmem:$0xF0] =	vst v1  }
0x1d: {  	[tilespmem:$0x100] =	vst v1  }
0x1e: {  	[tilespmem:$0x110] =	vst v1  }
0x1f: {  	[tilespmem:$0x120] =	vst v1  }
0x20: {  	[tilespmem:$0x130] =	vst v1  }
0x21: {  	[tilespmem:$0x140] =	vst v1  }
0x22: {  	[tilespmem:$0x150] =	vst v1  }
0x23: {  	[tilespmem:$0x160] =	vst v1  }
0x24: {  	[tilespmem:$0x170] =	vst v1  }
0x25: {  	[tilespmem:$0x180] =	vst v1  }
0x26: {  	[tilespmem:$0x190] =	vst v1  }
0x27: {  	[tilespmem:$0x1A0] =	vst v1  }
0x28: {  	[tilespmem:$0x1B0] =	vst v1  }
0x29: {  	[tilespmem:$0x1C0] =	vst v1  }
0x2a: {  	[tilespmem:$0x1D0] =	vst v1  }
0x2b: {  	[tilespmem:$0x1E0] =	vst v1  }
0x2c: {  	[tilespmem:$0x1F0] =	vst v1  }
0x2d: {  	[tilespmem:$0x200] =	vst v1  }
0x2e: {  	[tilespmem:$0x210] =	vst v1  }
0x2f: {  	[tilespmem:$0x220] =	vst v1  }
0x30: {  	[tilespmem:$0x230] =	vst v1  }
0x31: {  	[tilespmem:$0x240] =	vst v1  }
0x32: {  	[tilespmem:$0x250] =	vst v1  }
0x33: {  	[tilespmem:$0x260] =	vst v1  }
0x34: {  	[tilespmem:$0x270] =	vst v1  }
0x35: {  	[tilespmem:$0x280] =	vst v1  }
0x36: {  	[tilespmem:$0x290] =	vst v1  }
0x37: {  	[tilespmem:$0x2A0] =	vst v1  }
0x38: {  	[tilespmem:$0x2B0] =	vst v1  }
0x39: {  	[tilespmem:$0x2C0] =	vst v1  }
0x3a: {  	[tilespmem:$0x2D0] =	vst v1  }
0x3b: {  	[tilespmem:$0x2E0] =	vst v1  }
0x3c: {  	[tilespmem:$0x2F0] =	vst v1  }
0x3d: {  	[spmem:s4] =	stream.linear.scatter [tilespmem:s8], [sflag:$0x1], $0x280, $0x38;
	[tilespmem:$0x600] =	vst v63  }
0x3e: {  	_ =	swait.ge [sflag:s9], $0x280  }
0x3f: {  	[sflag:s9] =	ssyncset.done $0x0  }
0x40: {  	[sflag:s9] =	ssyncadd.s32 $0xFFFFFD80  }
0x41: {  	s14 =	sadd.s32 $0x0, s7;
	[bflag:$0x0] =	sbarrier.arrive $0xFFFF  }
0x42: {  	[tilespmem:s10], [sflag:$0x1] =	stream.linear.gather [hbm4b:s14+s3], $0x80, $0x38;
	[tilespmem:$0x600] =	vst v63  }
0x43: {  	_ =	swait.ge [sflag:s9], $0x80  }
0x44: {  	[sflag:s9] =	ssyncset.done $0x0  }
0x45: {  	[sflag:s9] =	ssyncadd.s32 $0xFFFFFF80  }
0x46: {  	[spmem:s2] =	stream.indirect.scatter.add.f32 [tilespmem:s3], [sflag:$0x1], $0x1, s10, s8, $0xb8;
	[tilespmem:$0x600] =	vst v63  }
0x47: {  	_ =	swait.ge [sflag:s9], $0x80  }
0x48: {  	s15 =	simm.s32 $0x20;
	s14 =	simm.s32 $0x10;
	[sflag:s9] =	ssyncset.done $0x0  }
.LBB2_2:
0x49: {  	s16 =	sadd.s32 s14, s7  }
0x4a: {  	[sflag:s9] =	ssyncadd.s32 $0xFFFFFF80;
	s14 =	smov.u32 s15;
	s17 =	sadd.s32 $0x10, s15  }
0x4b: {  	[tilespmem:s10], [sflag:$0x1] =	stream.linear.gather [hbm4b:s16+s3], $0x80, $0x38;
	[tilespmem:$0x600] =	vst v63  }
0x4c: {  	p0 =	sne.s32 s15, $0x270;
	_ =	swait.ge [sflag:s9], $0x80  }
.Ltmp0:
0x4d: {  	[sflag:s9] =	ssyncset.done $0x0;
	(pc) =	sbr.rel @p0 .LBB2_2-.Ltmp0, $4  }
0x4e: {  	[sflag:s9] =	ssyncadd.s32 $0xFFFFFF80  }
0x4f: {  	[spmem:s2] =	stream.indirect.scatter.add.f32 [tilespmem:s3], [sflag:$0x1], $0x1, s10, s8, $0xb8;
	[tilespmem:$0x600] =	vst v63  }
0x50: {  	_ =	swait.ge [sflag:s9], $0x80  }
0x51: {  	s15 =	smov.u32 s17;
	[sflag:s9] =	ssyncset.done $0x0  }
0x52: {  	s14 =	sadd.s32 s14, s7;
	[sflag:s9] =	ssyncadd.s32 $0xFFFFFF80  }
0x53: {  	[tilespmem:s10], [sflag:$0x1] =	stream.linear.gather [hbm4b:s14+s3], $0x80, $0x38;
	[tilespmem:$0x600] =	vst v63  }
0x54: {  	_ =	swait.ge [sflag:s9], $0x80  }
0x55: {  	[sflag:s9] =	ssyncset.done $0x0  }
0x56: {  	[sflag:s9] =	ssyncadd.s32 $0xFFFFFF80  }
0x57: {  	[spmem:s2] =	stream.indirect.scatter.add.f32 [tilespmem:s3], [sflag:$0x1], $0x1, s10, s8, $0xb8;
	[tilespmem:$0x600] =	vst v63  }
0x58: {  	_ =	swait.ge [sflag:s9], $0x80  }
0x59: {  	s13 =	sadd.s32 $0x1, s13;
	[sflag:s9] =	ssyncset.done $0x0  }
0x5a: {  	p0 =	sne.s32 s13, s6;
	[sflag:s9] =	ssyncadd.s32 $0xFFFFFF80  }
.Ltmp1:
0x5b: {  	[bflag:$0x0] =	sbarrier.arrive $0xFFFF;
	(pc) =	sbr.rel @p0 .LBB2_1-.Ltmp1, $4  }
0x5c: {  	[hbm:s5], [sflag:s11] =	dma.local [spmem:s12], $0x50  }
0x5d: {  	_ =	swait.ge [sflag:s9], $0x50  }
0x5e: {  	[sflag:s9] =	ssyncset.done $0x0  }
0x5f: {  	[sflag:s9] =	ssyncadd.s32 $0xFFFFFFB0  }
0x60: {  	_ =	sfence.sel $0x180000  }
0x61: {  	[bflag:$0x0] =	sbarrier.arrive $0xFFFF  }
0x62: {  	p0 =	sne.s32 s0, $0x0;
	_ =	strace $0x90000047  }
0x63: {  	s0 =	sadd.s32 @!p0 $0x100000, s1;
	[bflag:$0x2] =	sbarrier.arrive $0xFFFF  }
0x64: {  	[sflag:s0] =	ssyncadd.tile.s32 @!p0 $0x1;
	_ =	shalt  }
.Lfunc_end2:
_tile_overlayer_lowered:
.L_overlay_start_2:
0x65: {  	(tag) =	ssettag $0x2  }
0x66: {  	s0 =	rddreg [dreg:$0x0];
	s2 =	stileid.u32  }
0x67: {  	s1 =	rddreg [dreg:$0x1];
	p0 =	sne.s32 s2, $0x0  }
0x68: {  	s3 =	rddreg [dreg:$0x2];
	[bflag:$0x3] =	sbarrier.arrive $0xFFFF;
	s2 =	simm.s32 @!p0 $0x1C01  }
0x69: {  	[timem:s3], [sflag:s2] =	dma.local @!p0 [hbm:s0], s1  }
0x6a: {  	s0 =	simm.s32 @!p0 $0x1  }
0x6b: {  	_ =	swait.ge @!p0 [sflag:s0], s1  }
0x6c: {  	s1 =	ssub.s32 @!p0 $0x0, s1;
	[sflag:s0] =	ssyncset.done @!p0 $0x0  }
0x6d: {  	[sflag:s0] =	ssyncadd.s32 @!p0 s1  }
0x6e: {  	[bflag:$0x3] =	sbarrier.arrive $0xFFFF  }
0x6f: {  	_ =	shalt  }

// kernel: kernel.16.cloned.1.call-start
scs
__scs_entry_jumppad:
0x0: {  	(pc) =	sbr.rel $0x88, $3  }
0x1: {  	(tag) =	ssettag $0x0;
	lr =	simm.s32 $0x1  }
0x2: {  	[smem:$0x3F97] =	sst lr;
	_ =	strace $0xD0000000  }
0x3: {  	_ = 	snop  }
0x4: {  	_ = 	snop  }
0x5: {  	_ = 	snop  }
0x6: {  	_ = 	snop  }
0x7: {  	_ = 	snop  }
__scs_overlays_trampoline_lowered:
0x8: {  	[smem:$0x3FA6] =	sst s0  }
0x9: {  	[smem:$0x3FA7] =	sst s1  }
0xa: {  	[smem:$0x3FA8] =	sst s2  }
0xb: {  	[smem:$0x3FA9] =	sst s3  }
0xc: {  	[smem:$0x3FAA] =	sst s4  }
0xd: {  	[smem:$0x3FAB] =	sst s5  }
0xe: {  	[smem:$0x3FAC] =	sst s6  }
0xf: {  	[smem:$0x3FAD] =	sst s7  }
0x10: {  	[smem:$0x3FAE] =	sst s8  }
0x11: {  	[smem:$0x3FAF] =	sst s9;
	s0 =	simm.s32 @!p0 $0x0  }
0x12: {  	s1 =	sld [smem:$0x3F95];
	s0 =	simm.s32 @p0 $0x1  }
0x13: {  	[smem:$0x3FB0] =	sst s0;
	s0 =	simm.s32 @!p1 $0x0  }
0x14: {  	s2 =	sld [smem:$0x3F94];
	s0 =	simm.s32 @p1 $0x1  }
0x15: {  	[smem:$0x3FB1] =	sst s0;
	s0 =	simm.s32 @!p2 $0x0  }
0x16: {  	s3 =	sld [smem:$0x3FDB];
	s0 =	simm.s32 @p2 $0x1  }
0x17: {  	s4 =	simm.s32 $0x1BF5;
	[smem:$0x3FB3] =	sst s0  }
0x18: {  	s0 =	sld [smem:$0x3F96];
	_ =	swait.ge [sflag:s4], $0x0  }
0x19: {  	s7 =	sld [smem:$0x3F97]  }
0x1a: {  	s8 =	sadd.s32 $0xFFFFE003, lr  }
0x1b: {  	s9 =	sadd.s32 $0xFFFFFEF7, lr;
	s5 =	simm.s32 $0xFFFFFFFF;
	p2 =	slt.u32 s8, $0xFFFFF086  }
0x1c: {  	p1 =	slt.u32 s9, $0xF7A;
	s5 =	simm.s32 @!p2 $0x0  }
0x1d: {  	s5 =	simm.s32 @p1 $0x1;
	p0 =	seq.s32 s7, s2  }
0x1e: {  	s7 =	smul.u32 @!p0 $0xF7A, s2;
	p2 =	seq.s32 @!p0 s5, $0x0  }
0x1f: {  	s9 =	smul.u32 $0xF7A, s1;
	s8 =	simm.s32 @!p0 $0x1BF5;
	p2 =	por !p2, p0  }
0x20: {  	[sflag:s8] =	ssyncset.s32 @!p0 $0xFFFFF086;
	s6 =	sadd.s32 @!p0 s3, s7;
	s7 =	simm.s32 @!p0 $0x108  }
0x21: {  	s3 =	sadd.s32 s3, s9;
	s6 =	sadd.s32 @!p0 $0x88, s6;
	s7 =	simm.s32 @p2 $0x1082  }
0x22: {  	[simem:s7], [sflag:s8] =	dma.local @!p0 [hbm:s6], $0xF7A  }
0x23: {  	s9 =	sor.u32 $0xD0000000, s2;
	s6 =	simm.s32 $0x108;
	_ =	swait.ge @!p0 [sflag:s8], $0x0  }
0x24: {  	s3 =	sadd.s32 $0x88, s3;
	s6 =	simm.s32 @!p1 $0x1082;
	[sflag:s4] =	ssyncset.s32 $0xFFFFF086  }
0x25: {  	[simem:s6], [sflag:s4] =	dma.local [hbm:s3], $0xF7A  }
0x26: {  	[smem:$0x3F97] =	sst s1;
	(tag) =	ssettag s2;
	_ =	strace s9  }
0x27: {  	s1 =	sld [smem:$0x3FA7]  }
0x28: {  	s2 =	sld [smem:$0x3FA8]  }
0x29: {  	s4 =	sld [smem:$0x3FAA]  }
0x2a: {  	p0 =	seq.s32 s5, $0x0;
	s5 =	sld [smem:$0x3FAB]  }
0x2b: {  	s6 =	sld [smem:$0x3FAC]  }
0x2c: {  	s7 =	sld [smem:$0x3FAD]  }
0x2d: {  	s3 =	simm.s32 $0x108;
	s8 =	sld [smem:$0x3FAE]  }
0x2e: {  	s3 =	simm.s32 @!p0 $0x1082;
	s9 =	sld [smem:$0x3FAF]  }
0x2f: {  	lr =	sadd.s32 s0, s3;
	s0 =	sld [smem:$0x3FA6]  }
0x30: {  	s3 =	sld [smem:$0x3FA9]  }
0x31: {  	[smem:$0x3FB2] =	sst s10  }
0x32: {  	s10 =	sld [smem:$0x3FB0];
	_ =	sdelay $0x3  }
0x33: {  	p0 =	seq.s32 s10, $0x1;
	s10 =	sld [smem:$0x3FB2];
	_ =	sdelay $0x3  }
0x34: {  	[smem:$0x3FB2] =	sst s10  }
0x35: {  	s10 =	sld [smem:$0x3FB1];
	_ =	sdelay $0x3  }
0x36: {  	p1 =	seq.s32 s10, $0x1;
	s10 =	sld [smem:$0x3FB2];
	_ =	sdelay $0x3  }
0x37: {  	[smem:$0x3FB2] =	sst s10  }
0x38: {  	s10 =	sld [smem:$0x3FB3]  }
0x39: {  	_ = 	snop;
	(pc) =	sbr.ind lr, $3  }
0x3a: {  	_ = 	snop  }
0x3b: {  	_ = 	snop  }
0x3c: {  	p2 =	seq.s32 s10, $0x1;
	s10 =	sld [smem:$0x3FB2]  }
0x3d: {  	_ =	shalt  }
0x3e: {  	_ =	shalt  }
0x3f: {  	_ =	shalt  }
0x40: {  	_ =	shalt  }
0x41: {  	_ =	shalt  }
0x42: {  	_ =	shalt  }
0x43: {  	_ =	shalt  }
0x44: {  	_ =	shalt  }
0x45: {  	_ =	shalt  }
0x46: {  	_ =	shalt  }
0x47: {  	_ =	shalt  }
0x48: {  	_ =	shalt  }
0x49: {  	_ =	shalt  }
0x4a: {  	_ =	shalt  }
0x4b: {  	_ =	shalt  }
0x4c: {  	_ =	shalt  }
0x4d: {  	_ =	shalt  }
0x4e: {  	_ =	shalt  }
0x4f: {  	_ =	shalt  }
0x50: {  	_ =	shalt  }
0x51: {  	_ =	shalt  }
0x52: {  	_ =	shalt  }
0x53: {  	_ =	shalt  }
0x54: {  	_ =	shalt  }
0x55: {  	_ =	shalt  }
0x56: {  	_ =	shalt  }
0x57: {  	_ =	shalt  }
0x58: {  	_ =	shalt  }
0x59: {  	_ =	shalt  }
0x5a: {  	_ =	shalt  }
0x5b: {  	_ =	shalt  }
0x5c: {  	_ =	shalt  }
0x5d: {  	_ =	shalt  }
0x5e: {  	_ =	shalt  }
0x5f: {  	_ =	shalt  }
0x60: {  	_ =	shalt  }
0x61: {  	_ =	shalt  }
0x62: {  	_ =	shalt  }
0x63: {  	_ =	shalt  }
0x64: {  	_ =	shalt  }
0x65: {  	_ =	shalt  }
0x66: {  	_ =	shalt  }
0x67: {  	_ =	shalt  }
0x68: {  	_ =	shalt  }
0x69: {  	_ =	shalt  }
0x6a: {  	_ =	shalt  }
0x6b: {  	_ =	shalt  }
0x6c: {  	_ =	shalt  }
0x6d: {  	_ =	shalt  }
0x6e: {  	_ =	shalt  }
0x6f: {  	_ =	shalt  }
0x70: {  	_ =	shalt  }
0x71: {  	_ =	shalt  }
0x72: {  	_ =	shalt  }
0x73: {  	_ =	shalt  }
0x74: {  	_ =	shalt  }
0x75: {  	_ =	shalt  }
0x76: {  	_ =	shalt  }
0x77: {  	_ =	shalt  }
0x78: {  	_ =	shalt  }
0x79: {  	_ =	shalt  }
0x7a: {  	_ =	shalt  }
0x7b: {  	_ =	shalt  }
0x7c: {  	_ =	shalt  }
0x7d: {  	_ =	shalt  }
0x7e: {  	_ =	shalt  }
0x7f: {  	_ =	shalt  }
0x80: {  	_ =	shalt  }
0x81: {  	_ =	shalt  }
0x82: {  	_ =	shalt  }
0x83: {  	_ =	shalt  }
0x84: {  	_ =	shalt  }
0x85: {  	_ =	shalt  }
0x86: {  	_ =	shalt  }
0x87: {  	_ =	shalt  }
.Lfunc_end0:
.L_simem_size_0:
called_computation.2_lowered:
.L_overlay_start_0:
0x88: {  	s2 =	sld [smem:$0x3FD9]  }
0x89: {  	s3 =	sld [smem:$0x3FFE];
	_ =	sdelay $0x1  }
0x8a: {  	s1 =	srdreg.scid  }
0x8b: {  	s0 =	sand.u32 $0x1, s1  }
0x8c: {  	s16 =	sshll.u32 s0, $0xA;
	s2 =	sadd.s32 s3, s2  }
0x8d: {  	s2 =	sadd.s32 s2, s16  }
0x8e: {  	[smem:$0x3FBE] =	sst s2  }
0x8f: {  	_ = 	snop  }
0x90: {  	(tm) =	ssettm $0x1  }
0x91: {  	s17 =	sld [smem:$0x3FFB];
	_ =	sdelay $0x3  }
0x92: {  	_ =	strace s17  }
0x93: {  	s2 =	sld [smem:$0x3FFC];
	_ =	sdelay $0x3  }
0x94: {  	_ =	strace s2  }
0x95: {  	s2 =	sld [smem:$0x3FFD];
	_ =	sdelay $0x3  }
0x96: {  	_ =	strace s2  }
0x97: {  	_ =	strace $0x8FFFFFFF  }
0x98: {  	s18 =	sld [smem:$0x3FDB];
	_ =	sdelay $0x1  }
0x99: {  	s19 =	simm.s32 $_scs_section_size  }
0x9a: {  	s4 =	simm.s32 $_size__tile_overlayer_lowered;
	s5 =	simm.s32 $_tile_overlayer_lowered  }
0x9b: {  	s22 =	simm.s32 $0x1BFF;
	s21 =	sshll.u32 s5, $0x1;
	s2 =	sadd.s32 s19, s18  }
0x9c: {  	s6 =	simm.s32 $0x0;
	s20 =	sshll.u32 s4, $0x1;
	s4 =	sadd.s32 s21, s2  }
0x9d: {  	[timem:s6], [sflag:s22] =	dma.local [hbm:s4], s20  }
0x9e: {  	_ =	swait.ge [sflag:s22], s20  }
0x9f: {  	s3 =	ssub.s32 $0x0, s20;
	[sflag:s22] =	ssyncset.done $0x0  }
0xa0: {  	[sflag:s22] =	ssyncadd.s32 s3;
	_ =	sdelay $0x1  }
0xa1: {  	s23 =	simm.s32 $0x1B8B  }
0xa2: {  	_ =	swait.ge [sflag:s23], $0x1  }
0xa3: {  	[sflag:s23] =	ssyncset.done $0x0  }
0xa4: {  	s25 =	simm.s32 $0x1B8E;
	s24 =	sld [smem:$0x3FFE];
	[sflag:s23] =	ssyncadd.s32 $0xFFFFFFFF  }
0xa5: {  	s26 =	simm.s32 $execute0_lowered;
	[smem:$0x3FD2] =	sst s25  }
0xa6: {  	s4 =	sshll.u32 s26, $0x1;
	_ =	strace $0x8000004C;
	[dreg:$0x1] =	wrdreg $0xFFFFFFFF  }
0xa7: {  	s28 =	simm.s32 $_size_execute0_lowered;
	s2 =	sadd.s32 s2, s4;
	[dreg:$0x0] =	wrdreg $0x0  }
0xa8: {  	s4 =	sshll.u32 s28, $0x1;
	[dreg:$0x2] =	wrdreg s2  }
0xa9: {  	[dreg:$0x3] =	wrdreg s4  }
0xaa: {  	[dreg:$0x4] =	wrdreg $0xC0  }
0xab: {  	_ =	task [dreg:s6], $0x5FFFF  }
0xac: {  	[dreg:$0x1] =	wrdreg $0xFFFFFFFF  }
0xad: {  	[dreg:$0x0] =	wrdreg $0x60  }
0xae: {  	[dreg:$0x2] =	wrdreg s24  }
0xaf: {  	[dreg:$0x3] =	wrdreg $0x0  }
0xb0: {  	[dreg:$0x4] =	wrdreg $0x9  }
0xb1: {  	_ =	task.clear_ibuf [dreg:s6], $0x5FFFF;
	_ =	strace $0x9000004C  }
0xb2: {  	s29 =	simm.s32 $0x9;
	_ =	strace $0x8000004E  }
0xb3: {  	_ =	swait.ge [sflag:s29], $0x1  }
0xb4: {  	[sflag:s29] =	ssyncadd.s32 $0xFFFFFFFF  }
0xb5: {  	_ =	strace $0x9000004E  }
0xb6: {  	_ =	sfence  }
0xb7: {  	s30 =	sld [smem:$0x0];
	_ =	sdelay $0x2  }
0xb8: {  	s31 =	sshll.u32 s1, $0xD;
	s1 =	sshrl.u32 s1, $0x2  }
0xb9: {  	s3 =	sand.u32 $0x4000, s31;
	s1 =	sadd.s32 s1, s30  }
0xba: {  	s0 =	sor.u32 s3, s0;
	s1 =	sshll.u32 s1, $0x11  }
0xbb: {  	s0 =	sor.u32 s1, s0  }
0xbc: {  	s0 =	sadd.s32 $0x8F2B, s0  }
0xbd: {  	[sflag:s0] =	ssyncadd.remote.s32 $0x1  }
0xbe: {  	_ =	sfence.sel $0xFFFF  }
0xbf: {  	[dreg:$0x0] =	wrdreg $0xFFFFFFFF;
	(pc) =	sbr.abs _section_cstart, $3  }
0xc0: {  	[dreg:$0x1] =	wrdreg $0xFFFFFFFF  }
0xc1: {  	_ =	task.clear_ibuf [dreg:s6], $0x2FFFF;
	_ =	strace $0x9FFFFFFF  }
0xc2: {  	(tm) =	ssettm $0x7FFFFFFF  }
0xc3: {  	_ =	shalt  }
tec
execute0_lowered:
.L_overlay_start_1:
0x0: {  	(tag) =	ssettag $0x1  }
0x1: {  	s6 =	rddreg [dreg:$0x0]  }
0x2: {  	s0 =	srdreg.scid;
	s2 =	rddreg [dreg:$0x1]  }
0x3: {  	s3 =	simm.s32 $0x0;
	s14 =	simm.s32 $0x15400;
	s15 =	simm.s32 $0x80  }
0x4: {  	s16 =	simm.s32 $0x16800;
	s17 =	simm.s32 $0x14080;
	s18 =	simm.s32 $0x1A800  }
0x5: {  	s19 =	simm.s32 $0x1;
	s20 =	simm.s32 $0x2;
	s5 =	sand.u32 $0x1, s0  }
0x6: {  	s21 =	simm.s32 $0x16700;
	s0 =	stileid.u32;
	s8 =	smul.u32 $0x2800, s5  }
0x7: {  	s22 =	simm.s32 $0x16780;
	s23 =	simm.s32 $0x0;
	s9 =	smul.u32 $0x280, s0  }
0x8: {  	[smem:$0x7FF] =	sst s3;
	s4 =	sadd.s32 $0x11200, s6;
	s10 =	smul.u32 $0x2800, s0  }
0x9: {  	s1 =	sshll.u32 s5, $0x4;
	s11 =	smul.u32 $0x28000, s5;
	s5 =	ssub.s32 $0x2, s5  }
0xa: {  	s29 =	smul.u32 $0x50000, s0;
	s31 =	sshll.u32 s0, $0x6;
	s1 =	sor.u32 s0, s1  }
0xb: {  	s12 =	sshrl.u32 s5, $0x1;
	s7 =	smul.u32 $0x280, s1;
	s1 =	rddreg [dreg:$0x2]  }
0xc: {  	_ =	strace $0x8000004D;
	s8 =	sadd.s32 s9, s8;
	s11 =	sadd.s32 s10, s11  }
0xd: {  	s12 =	ssub.s32 s5, s12;
	s30 =	sshrl.u32 s29, $0x2;
	s5 =	sadd.s32 s4, s10  }
0xe: {  	s8 =	sadd.s32 s8, s6;
	s11 =	sadd.s32 s11, s6;
	s13 =	sadd.s32 s30, s2  }
0xf: {  	s10 =	smax.u32 s12, $0x1;
	s12 =	simm.s32 $0x3;
	s7 =	sadd.s32 s7, s6  }
0x10: {  	s6 =	sor.u32 $0x1C03, s31;
	s8 =	sadd.s32 $0xC200, s8;
	s9 =	sadd.s32 $0x3EC00, s11  }
0x11: {  	s11 =	sshrl.u32 s13, $0x3;
	s13 =	simm.s32 $0x14000;
	s7 =	sadd.s32 $0x39C00, s7  }
.LBB2_1:
0x12: {  	[spmem:s11], [sflag:s6] =	dma.local [hbm:s5], $0x2800  }
0x13: {  	_ =	swait.ge [sflag:s12], $0x2800  }
0x14: {  	[sflag:s12] =	ssyncset.done $0x0  }
0x15: {  	[sflag:s12] =	ssyncadd.s32 $0xFFFFD800  }
0x16: {  	[tilespmem:s13], [sflag:$0x3] =	stream.linear.gather [hbm4b:s7+s3], $0x1400, $0x38;
	[tilespmem:$0x1E800] =	vst v63  }
0x17: {  	_ =	swait.ge [sflag:s12], $0x1400  }
0x18: {  	[sflag:s12] =	ssyncset.done $0x0  }
0x19: {  	[sflag:s12] =	ssyncadd.s32 $0xFFFFEC00  }
0x1a: {  	[tilespmem:s14], [sflag:$0x3] =	stream.linear.gather [hbm4b:s8+s3], $0x1400, $0x38;
	[tilespmem:$0x1E800] =	vst v63  }
0x1b: {  	_ =	swait.ge [sflag:s12], $0x1400  }
0x1c: {  	[sflag:s12] =	ssyncset.done $0x0  }
0x1d: {  	[sflag:s12] =	ssyncadd.s32 $0xFFFFEC00  }
0x1e: {  	[bflag:$0x0] =	sbarrier.arrive $0xFFFF  }
0x1f: {  	[tilespmem:s16], [sflag:$0x1] =	stream.indirect.gather [hbm4b:s4+s15], $0x80, s13, s15, $0xb8;
	[tilespmem:$0x1E800] =	vst v63  }
0x20: {  	_ = 	snop  }
0x21: {  	[tilespmem:s18], [sflag:$0x2] =	stream.indirect.gather [hbm4b:s4+s15], $0x80, s17, s15, $0xb8;
	[tilespmem:$0x1E800] =	vst v63  }
0x22: {  	_ =	swait.ge [sflag:s19], $0x4000  }
0x23: {  	[sflag:s19] =	ssyncset.done $0x0  }
0x24: {  	s24 =	simm.s32 $0x15400;
	[sflag:s19] =	ssyncadd.s32 $0xFFFFC000  }
0x25: {  	[spmem:s2] =	stream.indirect.scatter.add.f32 [tilespmem:s16], [sflag:$0x3], $0x80, s24, s15, $0xb8;
	[tilespmem:$0x1E800] =	vst v63  }
0x26: {  	_ =	swait.ge [sflag:s12], $0x4000  }
0x27: {  	[sflag:s12] =	ssyncset.done $0x0  }
0x28: {  	s30 =	simm.s32 $0x14100;
	[sflag:s12] =	ssyncadd.s32 $0xFFFFC000  }
0x29: {  	[tilespmem:s16], [sflag:$0x1] =	stream.indirect.gather [hbm4b:s4+s15], $0x80, s30, s15, $0xb8;
	[tilespmem:$0x1E800] =	vst v63  }
0x2a: {  	_ =	swait.ge [sflag:s20], $0x4000  }
0x2b: {  	[sflag:s20] =	ssyncset.done $0x0  }
0x2c: {  	s31 =	simm.s32 $0x15480;
	[sflag:s20] =	ssyncadd.s32 $0xFFFFC000  }
0x2d: {  	[spmem:s2] =	stream.indirect.scatter.add.f32 [tilespmem:s18], [sflag:$0x3], $0x80, s31, s15, $0xb8;
	[tilespmem:$0x1E800] =	vst v63  }
0x2e: {  	_ =	swait.ge [sflag:s12], $0x4000  }
0x2f: {  	[sflag:s12] =	ssyncset.done $0x0  }
0x30: {  	s25 =	simm.s32 $0x14180;
	s24 =	simm.s32 $0x400;
	[sflag:s12] =	ssyncadd.s32 $0xFFFFC000  }
.LBB2_2:
0x31: {  	[tilespmem:s18], [sflag:$0x2] =	stream.indirect.gather [hbm4b:s4+s15], $0x80, s25, s15, $0xb8;
	[tilespmem:$0x1E800] =	vst v63  }
0x32: {  	s25 =	smov.u32 s24  }
0x33: {  	p0 =	sne.s32 s24, $0x4800;
	s24 =	sadd.s32 $0x400, s24;
	_ =	swait.ge [sflag:s19], $0x4000  }
0x34: {  	s25 =	sshra.s32 s25, $0x2;
	[sflag:s19] =	ssyncset.done $0x0  }
0x35: {  	s26 =	sadd.s32 $0x15400, s25;
	[sflag:s19] =	ssyncadd.s32 $0xFFFFC000  }
0x36: {  	[spmem:s2] =	stream.indirect.scatter.add.f32 [tilespmem:s16], [sflag:$0x3], $0x80, s26, s15, $0xb8;
	[tilespmem:$0x1E800] =	vst v63  }
0x37: {  	_ =	swait.ge [sflag:s12], $0x4000  }
0x38: {  	[sflag:s12] =	ssyncset.done $0x0  }
0x39: {  	s26 =	sadd.s32 $0x14100, s25;
	[sflag:s12] =	ssyncadd.s32 $0xFFFFC000  }
0x3a: {  	[tilespmem:s16], [sflag:$0x1] =	stream.indirect.gather [hbm4b:s4+s15], $0x80, s26, s15, $0xb8;
	[tilespmem:$0x1E800] =	vst v63  }
0x3b: {  	_ =	swait.ge [sflag:s20], $0x4000  }
0x3c: {  	[sflag:s20] =	ssyncset.done $0x0  }
.Ltmp0:
0x3d: {  	s26 =	sadd.s32 $0x15480, s25;
	[sflag:s20] =	ssyncadd.s32 $0xFFFFC000;
	(pc) =	sbr.rel @p0 .LBB2_2-.Ltmp0, $4  }
0x3e: {  	[spmem:s2] =	stream.indirect.scatter.add.f32 [tilespmem:s18], [sflag:$0x3], $0x80, s26, s15, $0xb8;
	[tilespmem:$0x1E800] =	vst v63  }
0x3f: {  	_ =	swait.ge [sflag:s12], $0x4000  }
0x40: {  	[sflag:s12] =	ssyncset.done $0x0  }
0x41: {  	s25 =	sadd.s32 $0x14180, s25;
	[sflag:s12] =	ssyncadd.s32 $0xFFFFC000  }
0x42: {  	[tilespmem:s18], [sflag:$0x2] =	stream.indirect.gather [hbm4b:s4+s15], $0x80, s25, s15, $0xb8;
	[tilespmem:$0x1E800] =	vst v63  }
0x43: {  	_ =	swait.ge [sflag:s19], $0x4000  }
0x44: {  	[sflag:s19] =	ssyncset.done $0x0  }
0x45: {  	[sflag:s19] =	ssyncadd.s32 $0xFFFFC000  }
0x46: {  	[spmem:s2] =	stream.indirect.scatter.add.f32 [tilespmem:s16], [sflag:$0x3], $0x80, s21, s15, $0xb8;
	[tilespmem:$0x1E800] =	vst v63  }
0x47: {  	_ =	swait.ge [sflag:s12], $0x4000  }
0x48: {  	[sflag:s12] =	ssyncset.done $0x0  }
0x49: {  	[sflag:s12] =	ssyncadd.s32 $0xFFFFC000  }
0x4a: {  	_ =	swait.ge [sflag:s20], $0x4000  }
0x4b: {  	[sflag:s20] =	ssyncset.done $0x0  }
0x4c: {  	[sflag:s20] =	ssyncadd.s32 $0xFFFFC000  }
0x4d: {  	[spmem:s2] =	stream.indirect.scatter.add.f32 [tilespmem:s18], [sflag:$0x3], $0x80, s22, s15, $0xb8;
	[tilespmem:$0x1E800] =	vst v63  }
0x4e: {  	_ =	swait.ge [sflag:s12], $0x4000  }
0x4f: {  	s23 =	sadd.s32 $0x1, s23;
	[sflag:s12] =	ssyncset.done $0x0  }
0x50: {  	p0 =	sne.s32 s23, s10;
	[sflag:s12] =	ssyncadd.s32 $0xFFFFC000  }
.Ltmp1:
0x51: {  	[bflag:$0x0] =	sbarrier.arrive $0xFFFF;
	(pc) =	sbr.rel @p0 .LBB2_1-.Ltmp1, $4  }
0x52: {  	[hbm:s9], [sflag:s6] =	dma.local [spmem:s11], $0x2800  }
0x53: {  	_ =	swait.ge [sflag:s12], $0x2800  }
0x54: {  	[sflag:s12] =	ssyncset.done $0x0  }
0x55: {  	[sflag:s12] =	ssyncadd.s32 $0xFFFFD800  }
0x56: {  	_ =	sfence.sel $0x180000  }
0x57: {  	[bflag:$0x0] =	sbarrier.arrive $0xFFFF  }
0x58: {  	p0 =	sne.s32 s0, $0x0;
	_ =	strace $0x9000004D  }
0x59: {  	s0 =	sadd.s32 @!p0 $0x100000, s1;
	[bflag:$0x2] =	sbarrier.arrive $0xFFFF  }
0x5a: {  	[sflag:s0] =	ssyncadd.tile.s32 @!p0 $0x1;
	_ =	shalt  }
.Lfunc_end2:
_tile_overlayer_lowered:
.L_overlay_start_2:
0x5b: {  	(tag) =	ssettag $0x2  }
0x5c: {  	s0 =	rddreg [dreg:$0x0];
	s2 =	stileid.u32  }
0x5d: {  	s1 =	rddreg [dreg:$0x1];
	p0 =	sne.s32 s2, $0x0  }
0x5e: {  	s3 =	rddreg [dreg:$0x2];
	[bflag:$0x3] =	sbarrier.arrive $0xFFFF;
	s2 =	simm.s32 @!p0 $0x1C03  }
0x5f: {  	[timem:s3], [sflag:s2] =	dma.local @!p0 [hbm:s0], s1  }
0x60: {  	s0 =	simm.s32 @!p0 $0x3  }
0x61: {  	_ =	swait.ge @!p0 [sflag:s0], s1  }
0x62: {  	s1 =	ssub.s32 @!p0 $0x0, s1;
	[sflag:s0] =	ssyncset.done @!p0 $0x0  }
0x63: {  	[sflag:s0] =	ssyncadd.s32 @!p0 s1  }
0x64: {  	[bflag:$0x3] =	sbarrier.arrive $0xFFFF  }
0x65: {  	_ =	shalt  }

// kernel: kernel.19.cloned.1.call-start
scs
__scs_entry_jumppad:
0x0: {  	(pc) =	sbr.rel $0x88, $3  }
0x1: {  	(tag) =	ssettag $0x0;
	lr =	simm.s32 $0x1  }
0x2: {  	[smem:$0x3F97] =	sst lr;
	_ =	strace $0xD0000000  }
0x3: {  	_ = 	snop  }
0x4: {  	_ = 	snop  }
0x5: {  	_ = 	snop  }
0x6: {  	_ = 	snop  }
0x7: {  	_ = 	snop  }
__scs_overlays_trampoline_lowered:
0x8: {  	[smem:$0x3FA6] =	sst s0  }
0x9: {  	[smem:$0x3FA7] =	sst s1  }
0xa: {  	[smem:$0x3FA8] =	sst s2  }
0xb: {  	[smem:$0x3FA9] =	sst s3  }
0xc: {  	[smem:$0x3FAA] =	sst s4  }
0xd: {  	[smem:$0x3FAB] =	sst s5  }
0xe: {  	[smem:$0x3FAC] =	sst s6  }
0xf: {  	[smem:$0x3FAD] =	sst s7  }
0x10: {  	[smem:$0x3FAE] =	sst s8  }
0x11: {  	[smem:$0x3FAF] =	sst s9;
	s0 =	simm.s32 @!p0 $0x0  }
0x12: {  	s1 =	sld [smem:$0x3F95];
	s0 =	simm.s32 @p0 $0x1  }
0x13: {  	[smem:$0x3FB0] =	sst s0;
	s0 =	simm.s32 @!p1 $0x0  }
0x14: {  	s2 =	sld [smem:$0x3F94];
	s0 =	simm.s32 @p1 $0x1  }
0x15: {  	[smem:$0x3FB1] =	sst s0;
	s0 =	simm.s32 @!p2 $0x0  }
0x16: {  	s3 =	sld [smem:$0x3FDB];
	s0 =	simm.s32 @p2 $0x1  }
0x17: {  	s4 =	simm.s32 $0x1BF5;
	[smem:$0x3FB3] =	sst s0  }
0x18: {  	s0 =	sld [smem:$0x3F96];
	_ =	swait.ge [sflag:s4], $0x0  }
0x19: {  	s7 =	sld [smem:$0x3F97]  }
0x1a: {  	s8 =	sadd.s32 $0xFFFFE003, lr  }
0x1b: {  	s9 =	sadd.s32 $0xFFFFFEF7, lr;
	s5 =	simm.s32 $0xFFFFFFFF;
	p2 =	slt.u32 s8, $0xFFFFF086  }
0x1c: {  	p1 =	slt.u32 s9, $0xF7A;
	s5 =	simm.s32 @!p2 $0x0  }
0x1d: {  	s5 =	simm.s32 @p1 $0x1;
	p0 =	seq.s32 s7, s2  }
0x1e: {  	s7 =	smul.u32 @!p0 $0xF7A, s2;
	p2 =	seq.s32 @!p0 s5, $0x0  }
0x1f: {  	s9 =	smul.u32 $0xF7A, s1;
	s8 =	simm.s32 @!p0 $0x1BF5;
	p2 =	por !p2, p0  }
0x20: {  	[sflag:s8] =	ssyncset.s32 @!p0 $0xFFFFF086;
	s6 =	sadd.s32 @!p0 s3, s7;
	s7 =	simm.s32 @!p0 $0x108  }
0x21: {  	s3 =	sadd.s32 s3, s9;
	s6 =	sadd.s32 @!p0 $0x88, s6;
	s7 =	simm.s32 @p2 $0x1082  }
0x22: {  	[simem:s7], [sflag:s8] =	dma.local @!p0 [hbm:s6], $0xF7A  }
0x23: {  	s9 =	sor.u32 $0xD0000000, s2;
	s6 =	simm.s32 $0x108;
	_ =	swait.ge @!p0 [sflag:s8], $0x0  }
0x24: {  	s3 =	sadd.s32 $0x88, s3;
	s6 =	simm.s32 @!p1 $0x1082;
	[sflag:s4] =	ssyncset.s32 $0xFFFFF086  }
0x25: {  	[simem:s6], [sflag:s4] =	dma.local [hbm:s3], $0xF7A  }
0x26: {  	[smem:$0x3F97] =	sst s1;
	(tag) =	ssettag s2;
	_ =	strace s9  }
0x27: {  	s1 =	sld [smem:$0x3FA7]  }
0x28: {  	s2 =	sld [smem:$0x3FA8]  }
0x29: {  	s4 =	sld [smem:$0x3FAA]  }
0x2a: {  	p0 =	seq.s32 s5, $0x0;
	s5 =	sld [smem:$0x3FAB]  }
0x2b: {  	s6 =	sld [smem:$0x3FAC]  }
0x2c: {  	s7 =	sld [smem:$0x3FAD]  }
0x2d: {  	s3 =	simm.s32 $0x108;
	s8 =	sld [smem:$0x3FAE]  }
0x2e: {  	s3 =	simm.s32 @!p0 $0x1082;
	s9 =	sld [smem:$0x3FAF]  }
0x2f: {  	lr =	sadd.s32 s0, s3;
	s0 =	sld [smem:$0x3FA6]  }
0x30: {  	s3 =	sld [smem:$0x3FA9]  }
0x31: {  	[smem:$0x3FB2] =	sst s10  }
0x32: {  	s10 =	sld [smem:$0x3FB0];
	_ =	sdelay $0x3  }
0x33: {  	p0 =	seq.s32 s10, $0x1;
	s10 =	sld [smem:$0x3FB2];
	_ =	sdelay $0x3  }
0x34: {  	[smem:$0x3FB2] =	sst s10  }
0x35: {  	s10 =	sld [smem:$0x3FB1];
	_ =	sdelay $0x3  }
0x36: {  	p1 =	seq.s32 s10, $0x1;
	s10 =	sld [smem:$0x3FB2];
	_ =	sdelay $0x3  }
0x37: {  	[smem:$0x3FB2] =	sst s10  }
0x38: {  	s10 =	sld [smem:$0x3FB3]  }
0x39: {  	_ = 	snop;
	(pc) =	sbr.ind lr, $3  }
0x3a: {  	_ = 	snop  }
0x3b: {  	_ = 	snop  }
0x3c: {  	p2 =	seq.s32 s10, $0x1;
	s10 =	sld [smem:$0x3FB2]  }
0x3d: {  	_ =	shalt  }
0x3e: {  	_ =	shalt  }
0x3f: {  	_ =	shalt  }
0x40: {  	_ =	shalt  }
0x41: {  	_ =	shalt  }
0x42: {  	_ =	shalt  }
0x43: {  	_ =	shalt  }
0x44: {  	_ =	shalt  }
0x45: {  	_ =	shalt  }
0x46: {  	_ =	shalt  }
0x47: {  	_ =	shalt  }
0x48: {  	_ =	shalt  }
0x49: {  	_ =	shalt  }
0x4a: {  	_ =	shalt  }
0x4b: {  	_ =	shalt  }
0x4c: {  	_ =	shalt  }
0x4d: {  	_ =	shalt  }
0x4e: {  	_ =	shalt  }
0x4f: {  	_ =	shalt  }
0x50: {  	_ =	shalt  }
0x51: {  	_ =	shalt  }
0x52: {  	_ =	shalt  }
0x53: {  	_ =	shalt  }
0x54: {  	_ =	shalt  }
0x55: {  	_ =	shalt  }
0x56: {  	_ =	shalt  }
0x57: {  	_ =	shalt  }
0x58: {  	_ =	shalt  }
0x59: {  	_ =	shalt  }
0x5a: {  	_ =	shalt  }
0x5b: {  	_ =	shalt  }
0x5c: {  	_ =	shalt  }
0x5d: {  	_ =	shalt  }
0x5e: {  	_ =	shalt  }
0x5f: {  	_ =	shalt  }
0x60: {  	_ =	shalt  }
0x61: {  	_ =	shalt  }
0x62: {  	_ =	shalt  }
0x63: {  	_ =	shalt  }
0x64: {  	_ =	shalt  }
0x65: {  	_ =	shalt  }
0x66: {  	_ =	shalt  }
0x67: {  	_ =	shalt  }
0x68: {  	_ =	shalt  }
0x69: {  	_ =	shalt  }
0x6a: {  	_ =	shalt  }
0x6b: {  	_ =	shalt  }
0x6c: {  	_ =	shalt  }
0x6d: {  	_ =	shalt  }
0x6e: {  	_ =	shalt  }
0x6f: {  	_ =	shalt  }
0x70: {  	_ =	shalt  }
0x71: {  	_ =	shalt  }
0x72: {  	_ =	shalt  }
0x73: {  	_ =	shalt  }
0x74: {  	_ =	shalt  }
0x75: {  	_ =	shalt  }
0x76: {  	_ =	shalt  }
0x77: {  	_ =	shalt  }
0x78: {  	_ =	shalt  }
0x79: {  	_ =	shalt  }
0x7a: {  	_ =	shalt  }
0x7b: {  	_ =	shalt  }
0x7c: {  	_ =	shalt  }
0x7d: {  	_ =	shalt  }
0x7e: {  	_ =	shalt  }
0x7f: {  	_ =	shalt  }
0x80: {  	_ =	shalt  }
0x81: {  	_ =	shalt  }
0x82: {  	_ =	shalt  }
0x83: {  	_ =	shalt  }
0x84: {  	_ =	shalt  }
0x85: {  	_ =	shalt  }
0x86: {  	_ =	shalt  }
0x87: {  	_ =	shalt  }
.Lfunc_end0:
.L_simem_size_0:
called_computation.3_lowered:
.L_overlay_start_0:
0x88: {  	s2 =	sld [smem:$0x3FD9]  }
0x89: {  	s3 =	sld [smem:$0x3FFE];
	_ =	sdelay $0x1  }
0x8a: {  	s1 =	srdreg.scid  }
0x8b: {  	s0 =	sand.u32 $0x1, s1  }
0x8c: {  	s16 =	sshll.u32 s0, $0xA;
	s2 =	sadd.s32 s3, s2  }
0x8d: {  	s2 =	sadd.s32 s2, s16  }
0x8e: {  	[smem:$0x3FBE] =	sst s2  }
0x8f: {  	_ = 	snop  }
0x90: {  	(tm) =	ssettm $0x1  }
0x91: {  	s17 =	sld [smem:$0x3FFB];
	_ =	sdelay $0x3  }
0x92: {  	_ =	strace s17  }
0x93: {  	s2 =	sld [smem:$0x3FFC];
	_ =	sdelay $0x3  }
0x94: {  	_ =	strace s2  }
0x95: {  	s2 =	sld [smem:$0x3FFD];
	_ =	sdelay $0x3  }
0x96: {  	_ =	strace s2  }
0x97: {  	_ =	strace $0x8FFFFFFF  }
0x98: {  	s18 =	sld [smem:$0x3FDB];
	_ =	sdelay $0x1  }
0x99: {  	s19 =	simm.s32 $_scs_section_size  }
0x9a: {  	s4 =	simm.s32 $_size__tile_overlayer_lowered;
	s5 =	simm.s32 $_tile_overlayer_lowered  }
0x9b: {  	s22 =	simm.s32 $0x1BFF;
	s21 =	sshll.u32 s5, $0x1;
	s2 =	sadd.s32 s19, s18  }
0x9c: {  	s6 =	simm.s32 $0x0;
	s20 =	sshll.u32 s4, $0x1;
	s4 =	sadd.s32 s21, s2  }
0x9d: {  	[timem:s6], [sflag:s22] =	dma.local [hbm:s4], s20  }
0x9e: {  	_ =	swait.ge [sflag:s22], s20  }
0x9f: {  	s3 =	ssub.s32 $0x0, s20;
	[sflag:s22] =	ssyncset.done $0x0  }
0xa0: {  	[sflag:s22] =	ssyncadd.s32 s3;
	_ =	sdelay $0x1  }
0xa1: {  	s23 =	simm.s32 $0x1B8B  }
0xa2: {  	_ =	swait.ge [sflag:s23], $0x1  }
0xa3: {  	[sflag:s23] =	ssyncset.done $0x0  }
0xa4: {  	s25 =	simm.s32 $0x1B8E;
	s24 =	sld [smem:$0x3FFE];
	[sflag:s23] =	ssyncadd.s32 $0xFFFFFFFF  }
0xa5: {  	s26 =	simm.s32 $execute0_lowered;
	[smem:$0x3FD2] =	sst s25  }
0xa6: {  	s4 =	sshll.u32 s26, $0x1;
	_ =	strace $0x8000004F;
	[dreg:$0x1] =	wrdreg $0xFFFFFFFF  }
0xa7: {  	s28 =	simm.s32 $_size_execute0_lowered;
	s2 =	sadd.s32 s2, s4;
	[dreg:$0x0] =	wrdreg $0x0  }
0xa8: {  	s4 =	sshll.u32 s28, $0x1;
	[dreg:$0x2] =	wrdreg s2  }
0xa9: {  	[dreg:$0x3] =	wrdreg s4  }
0xaa: {  	[dreg:$0x4] =	wrdreg $0xC0  }
0xab: {  	_ =	task [dreg:s6], $0x5FFFF  }
0xac: {  	[dreg:$0x1] =	wrdreg $0xFFFFFFFF  }
0xad: {  	[dreg:$0x0] =	wrdreg $0x60  }
0xae: {  	[dreg:$0x2] =	wrdreg s24  }
0xaf: {  	[dreg:$0x3] =	wrdreg $0x0  }
0xb0: {  	[dreg:$0x4] =	wrdreg $0x9  }
0xb1: {  	_ =	task.clear_ibuf [dreg:s6], $0x5FFFF;
	_ =	strace $0x9000004F  }
0xb2: {  	s29 =	simm.s32 $0x9;
	_ =	strace $0x80000051  }
0xb3: {  	_ =	swait.ge [sflag:s29], $0x1  }
0xb4: {  	[sflag:s29] =	ssyncadd.s32 $0xFFFFFFFF  }
0xb5: {  	_ =	strace $0x90000051  }
0xb6: {  	_ =	sfence  }
0xb7: {  	s30 =	sld [smem:$0x0];
	_ =	sdelay $0x2  }
0xb8: {  	s31 =	sshll.u32 s1, $0xD;
	s1 =	sshrl.u32 s1, $0x2  }
0xb9: {  	s3 =	sand.u32 $0x4000, s31;
	s1 =	sadd.s32 s1, s30  }
0xba: {  	s0 =	sor.u32 s3, s0;
	s1 =	sshll.u32 s1, $0x11  }
0xbb: {  	s0 =	sor.u32 s1, s0  }
0xbc: {  	s0 =	sadd.s32 $0x8F2B, s0  }
0xbd: {  	[sflag:s0] =	ssyncadd.remote.s32 $0x1  }
0xbe: {  	_ =	sfence.sel $0xFFFF  }
0xbf: {  	[dreg:$0x0] =	wrdreg $0xFFFFFFFF;
	(pc) =	sbr.abs _section_cstart, $3  }
0xc0: {  	[dreg:$0x1] =	wrdreg $0xFFFFFFFF  }
0xc1: {  	_ =	task.clear_ibuf [dreg:s6], $0x2FFFF;
	_ =	strace $0x9FFFFFFF  }
0xc2: {  	(tm) =	ssettm $0x7FFFFFFF  }
0xc3: {  	_ =	shalt  }
tec
execute0_lowered:
.L_overlay_start_1:
0x0: {  	(tag) =	ssettag $0x1  }
0x1: {  	s6 =	rddreg [dreg:$0x0]  }
0x2: {  	s0 =	srdreg.scid;
	s2 =	rddreg [dreg:$0x1]  }
0x3: {  	s3 =	simm.s32 $0x0;
	s14 =	simm.s32 $0x15400;
	s15 =	simm.s32 $0x80  }
0x4: {  	s16 =	simm.s32 $0x16800;
	s17 =	simm.s32 $0x14080;
	s18 =	simm.s32 $0x1A800  }
0x5: {  	s19 =	simm.s32 $0x1;
	s20 =	simm.s32 $0x2;
	s5 =	sand.u32 $0x1, s0  }
0x6: {  	s21 =	simm.s32 $0x16700;
	s0 =	stileid.u32;
	s8 =	smul.u32 $0x2800, s5  }
0x7: {  	s22 =	simm.s32 $0x16780;
	s23 =	simm.s32 $0x0;
	s9 =	smul.u32 $0x280, s0  }
0x8: {  	[smem:$0x7FF] =	sst s3;
	s4 =	sadd.s32 $0x11200, s6;
	s10 =	smul.u32 $0x2800, s0  }
0x9: {  	s1 =	sshll.u32 s5, $0x4;
	s11 =	smul.u32 $0x28000, s5;
	s5 =	ssub.s32 $0x2, s5  }
0xa: {  	s29 =	smul.u32 $0x50000, s0;
	s31 =	sshll.u32 s0, $0x6;
	s1 =	sor.u32 s0, s1  }
0xb: {  	s12 =	sshrl.u32 s5, $0x1;
	s7 =	smul.u32 $0x280, s1;
	s1 =	rddreg [dreg:$0x2]  }
0xc: {  	_ =	strace $0x80000050;
	s8 =	sadd.s32 s9, s8;
	s11 =	sadd.s32 s10, s11  }
0xd: {  	s12 =	ssub.s32 s5, s12;
	s30 =	sshrl.u32 s29, $0x2;
	s5 =	sadd.s32 s4, s10  }
0xe: {  	s8 =	sadd.s32 s8, s6;
	s11 =	sadd.s32 s11, s6;
	s13 =	sadd.s32 s30, s2  }
0xf: {  	s10 =	smax.u32 s12, $0x1;
	s12 =	simm.s32 $0x3;
	s7 =	sadd.s32 s7, s6  }
0x10: {  	s6 =	sor.u32 $0x1C03, s31;
	s8 =	sadd.s32 $0xC200, s8;
	s9 =	sadd.s32 $0x3EC00, s11  }
0x11: {  	s11 =	sshrl.u32 s13, $0x3;
	s13 =	simm.s32 $0x14000;
	s7 =	sadd.s32 $0x39C00, s7  }
.LBB2_1:
0x12: {  	[spmem:s11], [sflag:s6] =	dma.local [hbm:s5], $0x2800  }
0x13: {  	_ =	swait.ge [sflag:s12], $0x2800  }
0x14: {  	[sflag:s12] =	ssyncset.done $0x0  }
0x15: {  	[sflag:s12] =	ssyncadd.s32 $0xFFFFD800  }
0x16: {  	[tilespmem:s13], [sflag:$0x3] =	stream.linear.gather [hbm4b:s7+s3], $0x1400, $0x38;
	[tilespmem:$0x1E800] =	vst v63  }
0x17: {  	_ =	swait.ge [sflag:s12], $0x1400  }
0x18: {  	[sflag:s12] =	ssyncset.done $0x0  }
0x19: {  	[sflag:s12] =	ssyncadd.s32 $0xFFFFEC00  }
0x1a: {  	[tilespmem:s14], [sflag:$0x3] =	stream.linear.gather [hbm4b:s8+s3], $0x1400, $0x38;
	[tilespmem:$0x1E800] =	vst v63  }
0x1b: {  	_ =	swait.ge [sflag:s12], $0x1400  }
0x1c: {  	[sflag:s12] =	ssyncset.done $0x0  }
0x1d: {  	[sflag:s12] =	ssyncadd.s32 $0xFFFFEC00  }
0x1e: {  	[bflag:$0x0] =	sbarrier.arrive $0xFFFF  }
0x1f: {  	[tilespmem:s16], [sflag:$0x1] =	stream.indirect.gather [hbm4b:s4+s15], $0x80, s13, s15, $0xb8;
	[tilespmem:$0x1E800] =	vst v63  }
0x20: {  	_ = 	snop  }
0x21: {  	[tilespmem:s18], [sflag:$0x2] =	stream.indirect.gather [hbm4b:s4+s15], $0x80, s17, s15, $0xb8;
	[tilespmem:$0x1E800] =	vst v63  }
0x22: {  	_ =	swait.ge [sflag:s19], $0x4000  }
0x23: {  	[sflag:s19] =	ssyncset.done $0x0  }
0x24: {  	s24 =	simm.s32 $0x15400;
	[sflag:s19] =	ssyncadd.s32 $0xFFFFC000  }
0x25: {  	[spmem:s2] =	stream.indirect.scatter.add.f32 [tilespmem:s16], [sflag:$0x3], $0x80, s24, s15, $0xb8;
	[tilespmem:$0x1E800] =	vst v63  }
0x26: {  	_ =	swait.ge [sflag:s12], $0x4000  }
0x27: {  	[sflag:s12] =	ssyncset.done $0x0  }
0x28: {  	s30 =	simm.s32 $0x14100;
	[sflag:s12] =	ssyncadd.s32 $0xFFFFC000  }
0x29: {  	[tilespmem:s16], [sflag:$0x1] =	stream.indirect.gather [hbm4b:s4+s15], $0x80, s30, s15, $0xb8;
	[tilespmem:$0x1E800] =	vst v63  }
0x2a: {  	_ =	swait.ge [sflag:s20], $0x4000  }
0x2b: {  	[sflag:s20] =	ssyncset.done $0x0  }
0x2c: {  	s31 =	simm.s32 $0x15480;
	[sflag:s20] =	ssyncadd.s32 $0xFFFFC000  }
0x2d: {  	[spmem:s2] =	stream.indirect.scatter.add.f32 [tilespmem:s18], [sflag:$0x3], $0x80, s31, s15, $0xb8;
	[tilespmem:$0x1E800] =	vst v63  }
0x2e: {  	_ =	swait.ge [sflag:s12], $0x4000  }
0x2f: {  	[sflag:s12] =	ssyncset.done $0x0  }
0x30: {  	s25 =	simm.s32 $0x14180;
	s24 =	simm.s32 $0x400;
	[sflag:s12] =	ssyncadd.s32 $0xFFFFC000  }
.LBB2_2:
0x31: {  	[tilespmem:s18], [sflag:$0x2] =	stream.indirect.gather [hbm4b:s4+s15], $0x80, s25, s15, $0xb8;
	[tilespmem:$0x1E800] =	vst v63  }
0x32: {  	s25 =	smov.u32 s24  }
0x33: {  	p0 =	sne.s32 s24, $0x4800;
	s24 =	sadd.s32 $0x400, s24;
	_ =	swait.ge [sflag:s19], $0x4000  }
0x34: {  	s25 =	sshra.s32 s25, $0x2;
	[sflag:s19] =	ssyncset.done $0x0  }
0x35: {  	s26 =	sadd.s32 $0x15400, s25;
	[sflag:s19] =	ssyncadd.s32 $0xFFFFC000  }
0x36: {  	[spmem:s2] =	stream.indirect.scatter.add.f32 [tilespmem:s16], [sflag:$0x3], $0x80, s26, s15, $0xb8;
	[tilespmem:$0x1E800] =	vst v63  }
0x37: {  	_ =	swait.ge [sflag:s12], $0x4000  }
0x38: {  	[sflag:s12] =	ssyncset.done $0x0  }
0x39: {  	s26 =	sadd.s32 $0x14100, s25;
	[sflag:s12] =	ssyncadd.s32 $0xFFFFC000  }
0x3a: {  	[tilespmem:s16], [sflag:$0x1] =	stream.indirect.gather [hbm4b:s4+s15], $0x80, s26, s15, $0xb8;
	[tilespmem:$0x1E800] =	vst v63  }
0x3b: {  	_ =	swait.ge [sflag:s20], $0x4000  }
0x3c: {  	[sflag:s20] =	ssyncset.done $0x0  }
.Ltmp0:
0x3d: {  	s26 =	sadd.s32 $0x15480, s25;
	[sflag:s20] =	ssyncadd.s32 $0xFFFFC000;
	(pc) =	sbr.rel @p0 .LBB2_2-.Ltmp0, $4  }
0x3e: {  	[spmem:s2] =	stream.indirect.scatter.add.f32 [tilespmem:s18], [sflag:$0x3], $0x80, s26, s15, $0xb8;
	[tilespmem:$0x1E800] =	vst v63  }
0x3f: {  	_ =	swait.ge [sflag:s12], $0x4000  }
0x40: {  	[sflag:s12] =	ssyncset.done $0x0  }
0x41: {  	s25 =	sadd.s32 $0x14180, s25;
	[sflag:s12] =	ssyncadd.s32 $0xFFFFC000  }
0x42: {  	[tilespmem:s18], [sflag:$0x2] =	stream.indirect.gather [hbm4b:s4+s15], $0x80, s25, s15, $0xb8;
	[tilespmem:$0x1E800] =	vst v63  }
0x43: {  	_ =	swait.ge [sflag:s19], $0x4000  }
0x44: {  	[sflag:s19] =	ssyncset.done $0x0  }
0x45: {  	[sflag:s19] =	ssyncadd.s32 $0xFFFFC000  }
0x46: {  	[spmem:s2] =	stream.indirect.scatter.add.f32 [tilespmem:s16], [sflag:$0x3], $0x80, s21, s15, $0xb8;
	[tilespmem:$0x1E800] =	vst v63  }
0x47: {  	_ =	swait.ge [sflag:s12], $0x4000  }
0x48: {  	[sflag:s12] =	ssyncset.done $0x0  }
0x49: {  	[sflag:s12] =	ssyncadd.s32 $0xFFFFC000  }
0x4a: {  	_ =	swait.ge [sflag:s20], $0x4000  }
0x4b: {  	[sflag:s20] =	ssyncset.done $0x0  }
0x4c: {  	[sflag:s20] =	ssyncadd.s32 $0xFFFFC000  }
0x4d: {  	[spmem:s2] =	stream.indirect.scatter.add.f32 [tilespmem:s18], [sflag:$0x3], $0x80, s22, s15, $0xb8;
	[tilespmem:$0x1E800] =	vst v63  }
0x4e: {  	_ =	swait.ge [sflag:s12], $0x4000  }
0x4f: {  	s23 =	sadd.s32 $0x1, s23;
	[sflag:s12] =	ssyncset.done $0x0  }
0x50: {  	p0 =	sne.s32 s23, s10;
	[sflag:s12] =	ssyncadd.s32 $0xFFFFC000  }
.Ltmp1:
0x51: {  	[bflag:$0x0] =	sbarrier.arrive $0xFFFF;
	(pc) =	sbr.rel @p0 .LBB2_1-.Ltmp1, $4  }
0x52: {  	[hbm:s9], [sflag:s6] =	dma.local [spmem:s11], $0x2800  }
0x53: {  	_ =	swait.ge [sflag:s12], $0x2800  }
0x54: {  	[sflag:s12] =	ssyncset.done $0x0  }
0x55: {  	[sflag:s12] =	ssyncadd.s32 $0xFFFFD800  }
0x56: {  	_ =	sfence.sel $0x180000  }
0x57: {  	[bflag:$0x0] =	sbarrier.arrive $0xFFFF  }
0x58: {  	p0 =	sne.s32 s0, $0x0;
	_ =	strace $0x90000050  }
0x59: {  	s0 =	sadd.s32 @!p0 $0x100000, s1;
	[bflag:$0x2] =	sbarrier.arrive $0xFFFF  }
0x5a: {  	[sflag:s0] =	ssyncadd.tile.s32 @!p0 $0x1;
	_ =	shalt  }
.Lfunc_end2:
_tile_overlayer_lowered:
.L_overlay_start_2:
0x5b: {  	(tag) =	ssettag $0x2  }
0x5c: {  	s0 =	rddreg [dreg:$0x0];
	s2 =	stileid.u32  }
0x5d: {  	s1 =	rddreg [dreg:$0x1];
	p0 =	sne.s32 s2, $0x0  }
0x5e: {  	s3 =	rddreg [dreg:$0x2];
	[bflag:$0x3] =	sbarrier.arrive $0xFFFF;
	s2 =	simm.s32 @!p0 $0x1C03  }
0x5f: {  	[timem:s3], [sflag:s2] =	dma.local @!p0 [hbm:s0], s1  }
0x60: {  	s0 =	simm.s32 @!p0 $0x3  }
0x61: {  	_ =	swait.ge @!p0 [sflag:s0], s1  }
0x62: {  	s1 =	ssub.s32 @!p0 $0x0, s1;
	[sflag:s0] =	ssyncset.done @!p0 $0x0  }
0x63: {  	[sflag:s0] =	ssyncadd.s32 @!p0 s1  }
0x64: {  	[bflag:$0x3] =	sbarrier.arrive $0xFFFF  }
0x65: {  	_ =	shalt  }

</sc_bundles>
